<compile_context>
chip_gen: v7x
topology: tpu7x:2x2x1
jax: 0.10.2.dev20260603
libtpu: 0.0.44.dev20260713+nightly
codegen_flags: <defaults>
</compile_context>

<pallas_src>
import jax
import jax.numpy as jnp
from jax import lax
from jax.experimental import pallas as pl
from jax.experimental.pallas import tpu as pltpu
from jax.experimental.pallas import tpu_sc as plsc

HID = 768
NC = 2
NS = 16
NW = NC * NS
B = 1024
S = 50
NBOX = 36
BATCH_PER_W = B // NW
VFEAT = 2048
EPS = 1e-12
PAD_S = 56


PIECES = (24, 32)
NPIECE = BATCH_PER_W * 2
TOK_PER_W = BATCH_PER_W * PAD_S


def _sc_gather_body(tok, wemb, out, idx_v, bufA, bufB, bufC, bufD,
                    gsA, gsB, gsC, gsD, wsA, wsB, wsC, wsD):
    c = lax.axis_index("c")
    s = lax.axis_index("s")
    wid = s * NC + c
    row0_w = wid * BATCH_PER_W

    bufs = (bufA, bufB, bufC, bufD)
    gsems = (gsA, gsB, gsC, gsD)
    wsems = (wsA, wsB, wsC, wsD)

    pltpu.sync_copy(tok.at[pl.ds(wid * TOK_PER_W, TOK_PER_W)], idx_v)

    def piece(p, slot):
        n = PIECES[slot % 2]
        off = (slot % 2) * PIECES[0]
        batch = row0_w + p // 2
        irel = (p // 2) * PAD_S + off
        return n, off, batch, irel

    def start_gather(p, slot):
        n, off, batch, irel = piece(p, slot)
        pltpu.async_copy(wemb.at[idx_v.at[pl.ds(irel, n)]], bufs[slot],
                         gsems[slot])

    def wait_gather(p, slot):
        n, off, batch, irel = piece(p, slot)
        pltpu.make_async_copy(wemb.at[idx_v.at[pl.ds(irel, n)]], bufs[slot],
                              gsems[slot]).wait()

    def start_write(p, slot):
        n, off, batch, irel = piece(p, slot)
        pltpu.async_copy(bufs[slot], out.at[batch, pl.ds(off, n)],
                         wsems[slot])

    def wait_write(p, slot):
        n, off, batch, irel = piece(p, slot)
        pltpu.make_async_copy(bufs[slot], out.at[batch, pl.ds(off, n)],
                              wsems[slot]).wait()

    for slot in range(4):
        start_gather(slot, slot)

    def loop_body(i, carry):
        p0 = 4 * i
        for slot in range(4):
            p = p0 + slot
            wait_gather(p, slot)
            start_write(p, slot)

            @pl.when(p + 4 < NPIECE)
            def _():
                wait_write(p, slot)
                start_gather(p + 4, slot)
        return carry

    lax.fori_loop(0, NPIECE // 4, loop_body, 0)
    for slot in range(4):
        wait_write(NPIECE - 4 + slot, slot)


def _sc_gather(tok_flat, word_emb):
    mesh = plsc.VectorSubcoreMesh(core_axis_name="c", subcore_axis_name="s")
    fn = pl.kernel(
        _sc_gather_body,
        mesh=mesh,
        compiler_params=pltpu.CompilerParams(needs_layout_passes=False),
        cost_estimate=pl.CostEstimate(
            flops=0,
            bytes_accessed=2 * B * PAD_S * HID * 4,
            transcendentals=0),
        out_type=jax.ShapeDtypeStruct((B, PAD_S, HID), jnp.float32),
        scratch_types=[
            pltpu.VMEM((TOK_PER_W,), jnp.int32),
            pltpu.VMEM((PIECES[0], HID), jnp.float32),
            pltpu.VMEM((PIECES[1], HID), jnp.float32),
            pltpu.VMEM((PIECES[0], HID), jnp.float32),
            pltpu.VMEM((PIECES[1], HID), jnp.float32),
            pltpu.SemaphoreType.DMA,
            pltpu.SemaphoreType.DMA,
            pltpu.SemaphoreType.DMA,
            pltpu.SemaphoreType.DMA,
            pltpu.SemaphoreType.DMA,
            pltpu.SemaphoreType.DMA,
            pltpu.SemaphoreType.DMA,
            pltpu.SemaphoreType.DMA,
        ],
    )
    return fn(tok_flat, word_emb)


def _ln_tc(x, w, b):
    mu = jnp.mean(x, axis=-1, keepdims=True)
    d = x - mu
    var = jnp.mean(d * d, axis=-1, keepdims=True)
    return d * lax.rsqrt(var + jnp.float32(EPS)) * w + b


TBT = 16


def _tc_text_body(raw, bias, lnw, lnb, out):
    x = raw[...][:, :S, :] + bias[...]
    out[...] = _ln_tc(x, lnw[...], lnb[...])


def _tc_text(raw56, bias3, ln_w, ln_b):
    grid = B // TBT
    return pl.pallas_call(
        _tc_text_body,
        grid=(grid,),
        in_specs=[
            pl.BlockSpec((TBT, PAD_S, HID), lambda i: (i, 0, 0)),
            pl.BlockSpec((1, S, HID), lambda i: (0, 0, 0)),
            pl.BlockSpec((1, 1, HID), lambda i: (0, 0, 0)),
            pl.BlockSpec((1, 1, HID), lambda i: (0, 0, 0)),
        ],
        out_specs=pl.BlockSpec((TBT, S, HID), lambda i: (i, 0, 0)),
        out_shape=jax.ShapeDtypeStruct((B, S, HID), jnp.float32),
        compiler_params=pltpu.CompilerParams(
            dimension_semantics=("parallel",)),
    )(raw56, bias3, ln_w.reshape(1, 1, HID), ln_b.reshape(1, 1, HID))


TB = 16


def _tc_img_body(feat, loc, imgW, locW, typ, img_b, loc_b,
                 img_lnw, img_lnb, loc_lnw, loc_lnb, v_lnw, v_lnb, out):
    w = imgW[...]
    lw = locW[...]
    trow = typ[1:2, :]
    f = feat[...].reshape(TB * NBOX, VFEAT).astype(jnp.bfloat16)
    img = jnp.dot(f, w, preferred_element_type=jnp.float32)
    img = _ln_tc(img + img_b[...], img_lnw[...], img_lnb[...])
    l = jnp.dot(loc[...].reshape(TB * NBOX, 5), lw,
                preferred_element_type=jnp.float32)
    l = _ln_tc(l + loc_b[...], loc_lnw[...], loc_lnb[...])
    v = img + l + trow
    out[...] = _ln_tc(v, v_lnw[...], v_lnb[...]).reshape(TB, NBOX, HID)


def _tc_img(image_feat, image_loc, imgW_bf, loc_W, type_emb, img_b, loc_b,
            img_ln_w, img_ln_b, loc_ln_w, loc_ln_b, v_ln_w, v_ln_b):
    grid = B // TB
    row_spec = lambda i: (i, 0, 0)
    const_spec = lambda i: (0, 0)
    return pl.pallas_call(
        _tc_img_body,
        grid=(grid,),
        in_specs=[
            pl.BlockSpec((TB, NBOX, VFEAT), row_spec),
            pl.BlockSpec((TB, NBOX, 5), row_spec),
            pl.BlockSpec((VFEAT, HID), const_spec),
            pl.BlockSpec((5, HID), const_spec),
            pl.BlockSpec((2, HID), const_spec),
            pl.BlockSpec((1, HID), const_spec),
            pl.BlockSpec((1, HID), const_spec),
            pl.BlockSpec((1, HID), const_spec),
            pl.BlockSpec((1, HID), const_spec),
            pl.BlockSpec((1, HID), const_spec),
            pl.BlockSpec((1, HID), const_spec),
            pl.BlockSpec((1, HID), const_spec),
            pl.BlockSpec((1, HID), const_spec),
        ],
        out_specs=pl.BlockSpec((TB, NBOX, HID), row_spec),
        out_shape=jax.ShapeDtypeStruct((B, NBOX, HID), jnp.float32),
        compiler_params=pltpu.CompilerParams(
            dimension_semantics=("parallel",)),
    )(image_feat, image_loc, imgW_bf, loc_W, type_emb, img_b, loc_b,
      img_ln_w, img_ln_b, loc_ln_w, loc_ln_b, v_ln_w, v_ln_b)


def kernel(token_ids, image_feat, image_loc, word_emb, pos_emb, type_emb,
           ln_w, ln_b, img_W, img_b, loc_W, loc_b,
           img_ln_w, img_ln_b, loc_ln_w, loc_ln_b, v_ln_w, v_ln_b):
    tok_pad = jnp.concatenate(
        [token_ids.astype(jnp.int32), jnp.zeros((B, PAD_S - S), jnp.int32)],
        axis=1)
    raw56 = _sc_gather(tok_pad.reshape(B * PAD_S), word_emb)

    r2 = lambda a: a.reshape(1, HID)
    v_emb = _tc_img(image_feat, image_loc, img_W.astype(jnp.bfloat16), loc_W,
                    type_emb, r2(img_b), r2(loc_b), r2(img_ln_w), r2(img_ln_b),
                    r2(loc_ln_w), r2(loc_ln_b), r2(v_ln_w), r2(v_ln_b))

    bias3 = (pos_emb[:S] + type_emb[0]).reshape(1, S, HID)
    emb = _tc_text(raw56, bias3, ln_w, ln_b)

    return (emb, v_emb)

# --- scband reference (transcript-rebuilt; emitter-appended) ---
"""Pipeline reference for scband-uniter-embeddings-16063177687407 (READ-ONLY COPY).

The authoritative reference and input builder live on the scoring server;
editing this copy changes nothing except your own understanding.
"""

import jax, jax.numpy as jnp
import numpy as np

VOCAB = 30522
HID = 768
MAXPOS = 512
NTYPE = 2
VFEAT = 2048
NLOCS = 5
B = 1024
S = 50
NBOX = 36


def _ln(x, w, b, eps=1e-12):
    mu = jnp.mean(x, axis=-1, keepdims=True)
    var = jnp.mean((x - mu) ** 2, axis=-1, keepdims=True)
    return (x - mu) / jnp.sqrt(var + eps) * w + b


def setup_inputs(seed: int = 0) -> dict:
    key = jax.random.key(seed)
    ks = jax.random.split(key, 10)
    token_ids = jax.random.randint(ks[0], (B, S), 0, VOCAB, dtype=jnp.int64 if jax.config.jax_enable_x64 else jnp.int32)
    image_feat = jax.random.normal(ks[1], (B, NBOX, VFEAT), dtype=jnp.float32)
    image_loc = jax.random.normal(ks[2], (B, NBOX, NLOCS), dtype=jnp.float32)
    word_emb = jax.random.normal(ks[3], (VOCAB, HID), dtype=jnp.float32) * 0.02
    word_emb = word_emb.at[0].set(0.0)  # padding_idx=0
    pos_emb = jax.random.normal(ks[4], (MAXPOS, HID), dtype=jnp.float32) * 0.02
    type_emb = jax.random.normal(ks[5], (NTYPE, HID), dtype=jnp.float32) * 0.02
    img_W = jax.random.normal(ks[6], (VFEAT, HID), dtype=jnp.float32) * (1.0 / np.sqrt(VFEAT))
    img_b = jnp.zeros((HID,), dtype=jnp.float32)
    loc_W = jax.random.normal(ks[7], (NLOCS, HID), dtype=jnp.float32) * (1.0 / np.sqrt(NLOCS))
    loc_b = jnp.zeros((HID,), dtype=jnp.float32)
    ln_w = jnp.ones((HID,), dtype=jnp.float32)
    ln_b = jnp.zeros((HID,), dtype=jnp.float32)
    img_ln_w = jnp.ones((HID,), dtype=jnp.float32)
    img_ln_b = jnp.zeros((HID,), dtype=jnp.float32)
    loc_ln_w = jnp.ones((HID,), dtype=jnp.float32)
    loc_ln_b = jnp.zeros((HID,), dtype=jnp.float32)
    v_ln_w = jnp.ones((HID,), dtype=jnp.float32)  # special_initialize: copy of ln_w
    v_ln_b = jnp.zeros((HID,), dtype=jnp.float32)
    return {
        "token_ids": token_ids, "image_feat": image_feat, "image_loc": image_loc,
        "word_emb": word_emb, "pos_emb": pos_emb, "type_emb": type_emb,
        "ln_w": ln_w, "ln_b": ln_b,
        "img_W": img_W, "img_b": img_b, "loc_W": loc_W, "loc_b": loc_b,
        "img_ln_w": img_ln_w, "img_ln_b": img_ln_b,
        "loc_ln_w": loc_ln_w, "loc_ln_b": loc_ln_b,
        "v_ln_w": v_ln_w, "v_ln_b": v_ln_b,
    }


def reference(token_ids, image_feat, image_loc, word_emb, pos_emb, type_emb,
              ln_w, ln_b, img_W, img_b, loc_W, loc_b,
              img_ln_w, img_ln_b, loc_ln_w, loc_ln_b, v_ln_w, v_ln_b):
    seq_length = token_ids.shape[1]
    position_ids = jnp.arange(seq_length)
    words_embeddings = jnp.take(word_emb, token_ids, axis=0)          # [B,S,H]
    position_embeddings = jnp.take(pos_emb, position_ids, axis=0)     # [S,H] broadcast
    token_type_embeddings = type_emb[0]                               # token_type_ids = zeros
    embeddings = words_embeddings + position_embeddings[None, :, :] + token_type_embeddings
    embeddings = _ln(embeddings, ln_w, ln_b)
    # dropout = identity (eval mode)
    img_embeddings = _ln(jnp.einsum('bnf,fh->bnh', image_feat, img_W) + img_b, img_ln_w, img_ln_b)
    loc_embeddings = _ln(jnp.einsum('bnl,lh->bnh', image_loc, loc_W) + loc_b, loc_ln_w, loc_ln_b)
    v_token_type_embeddings = type_emb[1]                             # img_type_ids = ones
    v_embeddings = img_embeddings + loc_embeddings + v_token_type_embeddings
    v_embeddings = _ln(v_embeddings, v_ln_w, v_ln_b)
    return (embeddings, v_embeddings)

if __name__ == "__main__":
    import jax
    _d = setup_inputs()
    print(jax.jit(kernel)(*tuple(_d.values())))

</pallas_src>

<mosaic_0001>
#map = affine_map<(d0, d1) -> (0)>
#map1 = affine_map<(d0, d1) -> (0, 0)>
#map2 = affine_map<(d0, d1) -> (0, 0, 0)>
module attributes {stable_mosaic.version = 14 : i64} {
  func.func @_sc_gather_body(%arg0: i32, %arg1: i32, %arg2: memref<57344xi32, #tpu.memory_space<hbm>>, %arg3: memref<30522x768xf32, #tpu.memory_space<hbm>>, %arg4: memref<1024x56x768xf32, #tpu.memory_space<hbm>>, %arg5: memref<1792xi32, #tpu.memory_space<vmem>>, %arg6: memref<24x768xf32, #tpu.memory_space<vmem>>, %arg7: memref<32x768xf32, #tpu.memory_space<vmem>>, %arg8: memref<24x768xf32, #tpu.memory_space<vmem>>, %arg9: memref<32x768xf32, #tpu.memory_space<vmem>>, %arg10: memref<!tpu.dma_semaphore, #tpu.memory_space<semaphore_mem>>, %arg11: memref<!tpu.dma_semaphore, #tpu.memory_space<semaphore_mem>>, %arg12: memref<!tpu.dma_semaphore, #tpu.memory_space<semaphore_mem>>, %arg13: memref<!tpu.dma_semaphore, #tpu.memory_space<semaphore_mem>>, %arg14: memref<!tpu.dma_semaphore, #tpu.memory_space<semaphore_mem>>, %arg15: memref<!tpu.dma_semaphore, #tpu.memory_space<semaphore_mem>>, %arg16: memref<!tpu.dma_semaphore, #tpu.memory_space<semaphore_mem>>, %arg17: memref<!tpu.dma_semaphore, #tpu.memory_space<semaphore_mem>>) attributes {dimension_semantics = [#tpu.dimension_semantics<core_parallel>, #tpu.dimension_semantics<subcore_parallel>], iteration_bounds = array<i64: 2, 16>, scalar_prefetch = 0 : i64, scratch_operands = 13 : i64, tpu.core_type = #tpu.core_type<sc_vector_subcore>, window_params = [{transform_indices = #map}, {transform_indices = #map1}, {transform_indices = #map2}]} {
    %mul3A = arith.constant 2 : i32
    %mul3A_0 = arith.muli %arg1, %mul3A : i32
    %add3A = arith.addi %mul3A_0, %arg0 : i32
    %mul3A_1 = arith.constant 32 : i32
    %mul3A_2 = arith.muli %add3A, %mul3A_1 : i32
    %mul3A_3 = arith.constant 1792 : i32
    %mul3A_4 = arith.muli %add3A, %mul3A_3 : i32
    "tpu.region"() ({
      %run_scoped3A = tpu.sem_alloc : memref<!tpu.dma_semaphore, #tpu.memory_space<semaphore_mem>>
      %dma_start3A_76 = tpu.memref_slice %arg2[%mul3A_4] : memref<57344xi32, #tpu.memory_space<hbm>> -> memref<1792xi32, #tpu.memory_space<hbm>>
      %dma_start3A_77 = tpu.memref_slice %arg2[%mul3A_4] : memref<57344xi32, #tpu.memory_space<hbm>> -> memref<1792xi32, #tpu.memory_space<hbm>>
      tpu.enqueue_dma source(%dma_start3A_77 : memref<1792xi32, #tpu.memory_space<hbm>>) target(%arg5 : memref<1792xi32, #tpu.memory_space<vmem>>) target_semaphore(%run_scoped3A : memref<!tpu.dma_semaphore, #tpu.memory_space<semaphore_mem>>)
      %dma_wait3A_78 = tpu.memref_slice %arg2[%mul3A_4] : memref<57344xi32, #tpu.memory_space<hbm>> -> memref<1792xi32, #tpu.memory_space<hbm>>
      %dma_wait3A_79 = tpu.memref_slice %arg2[%mul3A_4] : memref<57344xi32, #tpu.memory_space<hbm>> -> memref<1792xi32, #tpu.memory_space<hbm>>
      tpu.wait_dma2 semaphore(%run_scoped3A : memref<!tpu.dma_semaphore, #tpu.memory_space<semaphore_mem>>) src(%dma_wait3A_79 : memref<1792xi32, #tpu.memory_space<hbm>>) dst(%arg5 : memref<1792xi32, #tpu.memory_space<vmem>>)
      tpu.yield
    }) : () -> ()
    %add3A_5 = arith.constant 0 : i32
    %add3A_6 = arith.addi %mul3A_2, %add3A_5 : i32
    %dma_start3A = arith.constant 0 : i32
    %dma_start3A_7 = tpu.memref_slice %arg5[%dma_start3A] : memref<1792xi32, #tpu.memory_space<vmem>> -> memref<24xi32, #tpu.memory_space<vmem>>
    %dma_start3A_8 = arith.constant 0 : i32
    %dma_start3A_9 = arith.constant 0 : i32
    %dma_start3A_10 = tpu.memref_slice %arg3[%dma_start3A_8, %dma_start3A_9] : memref<30522x768xf32, #tpu.memory_space<hbm>> -> memref<30522x768xf32, #tpu.memory_space<hbm>>
    tpu.enqueue_indirect_dma source(%dma_start3A_10 : memref<30522x768xf32, #tpu.memory_space<hbm>>) target(%arg6 : memref<24x768xf32, #tpu.memory_space<vmem>>) offsets(%dma_start3A_7 : memref<24xi32, #tpu.memory_space<vmem>>) semaphore(%arg10 : memref<!tpu.dma_semaphore, #tpu.memory_space<semaphore_mem>>)
    %add3A_11 = arith.constant 0 : i32
    %add3A_12 = arith.addi %mul3A_2, %add3A_11 : i32
    %dma_start3A_13 = arith.constant 24 : i32
    %dma_start3A_14 = tpu.memref_slice %arg5[%dma_start3A_13] : memref<1792xi32, #tpu.memory_space<vmem>> -> memref<32xi32, #tpu.memory_space<vmem>>
    %dma_start3A_15 = arith.constant 0 : i32
    %dma_start3A_16 = arith.constant 0 : i32
    %dma_start3A_17 = tpu.memref_slice %arg3[%dma_start3A_15, %dma_start3A_16] : memref<30522x768xf32, #tpu.memory_space<hbm>> -> memref<30522x768xf32, #tpu.memory_space<hbm>>
    tpu.enqueue_indirect_dma source(%dma_start3A_17 : memref<30522x768xf32, #tpu.memory_space<hbm>>) target(%arg7 : memref<32x768xf32, #tpu.memory_space<vmem>>) offsets(%dma_start3A_14 : memref<32xi32, #tpu.memory_space<vmem>>) semaphore(%arg11 : memref<!tpu.dma_semaphore, #tpu.memory_space<semaphore_mem>>)
    %add3A_18 = arith.constant 1 : i32
    %add3A_19 = arith.addi %mul3A_2, %add3A_18 : i32
    %dma_start3A_20 = arith.constant 56 : i32
    %dma_start3A_21 = tpu.memref_slice %arg5[%dma_start3A_20] : memref<1792xi32, #tpu.memory_space<vmem>> -> memref<24xi32, #tpu.memory_space<vmem>>
    %dma_start3A_22 = arith.constant 0 : i32
    %dma_start3A_23 = arith.constant 0 : i32
    %dma_start3A_24 = tpu.memref_slice %arg3[%dma_start3A_22, %dma_start3A_23] : memref<30522x768xf32, #tpu.memory_space<hbm>> -> memref<30522x768xf32, #tpu.memory_space<hbm>>
    tpu.enqueue_indirect_dma source(%dma_start3A_24 : memref<30522x768xf32, #tpu.memory_space<hbm>>) target(%arg8 : memref<24x768xf32, #tpu.memory_space<vmem>>) offsets(%dma_start3A_21 : memref<24xi32, #tpu.memory_space<vmem>>) semaphore(%arg12 : memref<!tpu.dma_semaphore, #tpu.memory_space<semaphore_mem>>)
    %add3A_25 = arith.constant 1 : i32
    %add3A_26 = arith.addi %mul3A_2, %add3A_25 : i32
    %dma_start3A_27 = arith.constant 80 : i32
    %dma_start3A_28 = tpu.memref_slice %arg5[%dma_start3A_27] : memref<1792xi32, #tpu.memory_space<vmem>> -> memref<32xi32, #tpu.memory_space<vmem>>
    %dma_start3A_29 = arith.constant 0 : i32
    %dma_start3A_30 = arith.constant 0 : i32
    %dma_start3A_31 = tpu.memref_slice %arg3[%dma_start3A_29, %dma_start3A_30] : memref<30522x768xf32, #tpu.memory_space<hbm>> -> memref<30522x768xf32, #tpu.memory_space<hbm>>
    tpu.enqueue_indirect_dma source(%dma_start3A_31 : memref<30522x768xf32, #tpu.memory_space<hbm>>) target(%arg9 : memref<32x768xf32, #tpu.memory_space<vmem>>) offsets(%dma_start3A_28 : memref<32xi32, #tpu.memory_space<vmem>>) semaphore(%arg13 : memref<!tpu.dma_semaphore, #tpu.memory_space<semaphore_mem>>)
    %scan3A = arith.constant 0 : i32
    %scan3A_32 = arith.constant 0 : i32
    %scan3A_33 = arith.constant 16 : i32
    %scan3A_34 = arith.addi %scan3A_32, %scan3A_33 : i32
    %scan3A_35 = arith.constant 1 : i32
    scf.for %scan3A_76 = %scan3A_32 to %scan3A_34 step %scan3A_35  : i32 {
      %mul3A_77 = arith.constant 4 : i32
      %mul3A_78 = arith.muli %mul3A_77, %scan3A_76 : i32
      %add3A_79 = arith.constant 0 : i32
      %add3A_80 = arith.addi %mul3A_78, %add3A_79 : i32
      %jit3A = arith.constant 2 : i32
      %div3A = arith.divsi %add3A_80, %jit3A : i32
      %sign3A = arith.constant 0 : i32
      %sign3A_81 = arith.cmpi sgt, %add3A_80, %sign3A : i32
      %sign3A_82 = arith.extui %sign3A_81 : i1 to i32
      %sign3A_83 = arith.constant 0 : i32
      %sign3A_84 = arith.cmpi slt, %add3A_80, %sign3A_83 : i32
      %sign3A_85 = arith.extui %sign3A_84 : i1 to i32
      %sign3A_86 = arith.subi %sign3A_82, %sign3A_85 : i32
      %sign3A_87 = arith.constant 0 : i32
      %sign3A_88 = arith.cmpi sgt, %jit3A, %sign3A_87 : i32
      %sign3A_89 = arith.extui %sign3A_88 : i1 to i32
      %sign3A_90 = arith.constant 0 : i32
      %sign3A_91 = arith.cmpi slt, %jit3A, %sign3A_90 : i32
      %sign3A_92 = arith.extui %sign3A_91 : i1 to i32
      %sign3A_93 = arith.subi %sign3A_89, %sign3A_92 : i32
      %ne3A = arith.cmpi ne, %sign3A_86, %sign3A_93 : i32
      %rem3A = arith.remsi %add3A_80, %jit3A : i32
      %ne3A_94 = arith.constant 0 : i32
      %ne3A_95 = arith.cmpi ne, %rem3A, %ne3A_94 : i32
      %and3A = arith.andi %ne3A, %ne3A_95 : i1
      %sub3A = arith.constant 1 : i32
      %sub3A_96 = arith.subi %div3A, %sub3A : i32
      %select_n3A = arith.select %and3A, %sub3A_96, %div3A : i32
      %add3A_97 = arith.addi %mul3A_2, %select_n3A : i32
      %jit3A_98 = arith.constant 2 : i32
      %div3A_99 = arith.divsi %add3A_80, %jit3A_98 : i32
      %sign3A_100 = arith.constant 0 : i32
      %sign3A_101 = arith.cmpi sgt, %add3A_80, %sign3A_100 : i32
      %sign3A_102 = arith.extui %sign3A_101 : i1 to i32
      %sign3A_103 = arith.constant 0 : i32
      %sign3A_104 = arith.cmpi slt, %add3A_80, %sign3A_103 : i32
      %sign3A_105 = arith.extui %sign3A_104 : i1 to i32
      %sign3A_106 = arith.subi %sign3A_102, %sign3A_105 : i32
      %sign3A_107 = arith.constant 0 : i32
      %sign3A_108 = arith.cmpi sgt, %jit3A_98, %sign3A_107 : i32
      %sign3A_109 = arith.extui %sign3A_108 : i1 to i32
      %sign3A_110 = arith.constant 0 : i32
      %sign3A_111 = arith.cmpi slt, %jit3A_98, %sign3A_110 : i32
      %sign3A_112 = arith.extui %sign3A_111 : i1 to i32
      %sign3A_113 = arith.subi %sign3A_109, %sign3A_112 : i32
      %ne3A_114 = arith.cmpi ne, %sign3A_106, %sign3A_113 : i32
      %rem3A_115 = arith.remsi %add3A_80, %jit3A_98 : i32
      %ne3A_116 = arith.constant 0 : i32
      %ne3A_117 = arith.cmpi ne, %rem3A_115, %ne3A_116 : i32
      %and3A_118 = arith.andi %ne3A_114, %ne3A_117 : i1
      %sub3A_119 = arith.constant 1 : i32
      %sub3A_120 = arith.subi %div3A_99, %sub3A_119 : i32
      %select_n3A_121 = arith.select %and3A_118, %sub3A_120, %div3A_99 : i32
      %mul3A_122 = arith.constant 56 : i32
      %mul3A_123 = arith.muli %select_n3A_121, %mul3A_122 : i32
      %add3A_124 = arith.constant 0 : i32
      %add3A_125 = arith.addi %mul3A_123, %add3A_124 : i32
      %dma_wait3A_126 = tpu.memref_slice %arg5[%add3A_125] : memref<1792xi32, #tpu.memory_space<vmem>> -> memref<24xi32, #tpu.memory_space<vmem>>
      %dma_wait3A_127 = arith.constant 0 : i32
      %dma_wait3A_128 = arith.constant 0 : i32
      %dma_wait3A_129 = tpu.memref_slice %arg3[%dma_wait3A_127, %dma_wait3A_128] : memref<30522x768xf32, #tpu.memory_space<hbm>> -> memref<30522x768xf32, #tpu.memory_space<hbm>>
      tpu.wait_indirect_dma semaphore(%arg10 : memref<!tpu.dma_semaphore, #tpu.memory_space<semaphore_mem>>) src(%dma_wait3A_129 : memref<30522x768xf32, #tpu.memory_space<hbm>>) dst(%arg6 : memref<24x768xf32, #tpu.memory_space<vmem>>)
      %jit3A_130 = arith.constant 2 : i32
      %div3A_131 = arith.divsi %add3A_80, %jit3A_130 : i32
      %sign3A_132 = arith.constant 0 : i32
      %sign3A_133 = arith.cmpi sgt, %add3A_80, %sign3A_132 : i32
      %sign3A_134 = arith.extui %sign3A_133 : i1 to i32
      %sign3A_135 = arith.constant 0 : i32
      %sign3A_136 = arith.cmpi slt, %add3A_80, %sign3A_135 : i32
      %sign3A_137 = arith.extui %sign3A_136 : i1 to i32
      %sign3A_138 = arith.subi %sign3A_134, %sign3A_137 : i32
      %sign3A_139 = arith.constant 0 : i32
      %sign3A_140 = arith.cmpi sgt, %jit3A_130, %sign3A_139 : i32
      %sign3A_141 = arith.extui %sign3A_140 : i1 to i32
      %sign3A_142 = arith.constant 0 : i32
      %sign3A_143 = arith.cmpi slt, %jit3A_130, %sign3A_142 : i32
      %sign3A_144 = arith.extui %sign3A_143 : i1 to i32
      %sign3A_145 = arith.subi %sign3A_141, %sign3A_144 : i32
      %ne3A_146 = arith.cmpi ne, %sign3A_138, %sign3A_145 : i32
      %rem3A_147 = arith.remsi %add3A_80, %jit3A_130 : i32
      %ne3A_148 = arith.constant 0 : i32
      %ne3A_149 = arith.cmpi ne, %rem3A_147, %ne3A_148 : i32
      %and3A_150 = arith.andi %ne3A_146, %ne3A_149 : i1
      %sub3A_151 = arith.constant 1 : i32
      %sub3A_152 = arith.subi %div3A_131, %sub3A_151 : i32
      %select_n3A_153 = arith.select %and3A_150, %sub3A_152, %div3A_131 : i32
      %add3A_154 = arith.addi %mul3A_2, %select_n3A_153 : i32
      %jit3A_155 = arith.constant 2 : i32
      %div3A_156 = arith.divsi %add3A_80, %jit3A_155 : i32
      %sign3A_157 = arith.constant 0 : i32
      %sign3A_158 = arith.cmpi sgt, %add3A_80, %sign3A_157 : i32
      %sign3A_159 = arith.extui %sign3A_158 : i1 to i32
      %sign3A_160 = arith.constant 0 : i32
      %sign3A_161 = arith.cmpi slt, %add3A_80, %sign3A_160 : i32
      %sign3A_162 = arith.extui %sign3A_161 : i1 to i32
      %sign3A_163 = arith.subi %sign3A_159, %sign3A_162 : i32
      %sign3A_164 = arith.constant 0 : i32
      %sign3A_165 = arith.cmpi sgt, %jit3A_155, %sign3A_164 : i32
      %sign3A_166 = arith.extui %sign3A_165 : i1 to i32
      %sign3A_167 = arith.constant 0 : i32
      %sign3A_168 = arith.cmpi slt, %jit3A_155, %sign3A_167 : i32
      %sign3A_169 = arith.extui %sign3A_168 : i1 to i32
      %sign3A_170 = arith.subi %sign3A_166, %sign3A_169 : i32
      %ne3A_171 = arith.cmpi ne, %sign3A_163, %sign3A_170 : i32
      %rem3A_172 = arith.remsi %add3A_80, %jit3A_155 : i32
      %ne3A_173 = arith.constant 0 : i32
      %ne3A_174 = arith.cmpi ne, %rem3A_172, %ne3A_173 : i32
      %and3A_175 = arith.andi %ne3A_171, %ne3A_174 : i1
      %sub3A_176 = arith.constant 1 : i32
      %sub3A_177 = arith.subi %div3A_156, %sub3A_176 : i32
      %select_n3A_178 = arith.select %and3A_175, %sub3A_177, %div3A_156 : i32
      %mul3A_179 = arith.constant 56 : i32
      %mul3A_180 = arith.muli %select_n3A_178, %mul3A_179 : i32
      %add3A_181 = arith.constant 0 : i32
      %add3A_182 = arith.addi %mul3A_180, %add3A_181 : i32
      %dma_start3A_183 = arith.constant 0 : i32
      %dma_start3A_184 = arith.constant 0 : i32
      %dma_start3A_185 = tpu.memref_slice %arg4[%add3A_154, %dma_start3A_183, %dma_start3A_184] : memref<1024x56x768xf32, #tpu.memory_space<hbm>> -> memref<1x24x768xf32, #tpu.memory_space<hbm>>
      %dma_start3A_186 = tpu.memref_squeeze %dma_start3A_185 : memref<1x24x768xf32, #tpu.memory_space<hbm>> -> memref<24x768xf32, #tpu.memory_space<hbm>>
      %dma_start3A_187 = arith.constant 0 : i32
      %dma_start3A_188 = arith.constant 0 : i32
      %dma_start3A_189 = tpu.memref_slice %arg4[%add3A_154, %dma_start3A_187, %dma_start3A_188] : memref<1024x56x768xf32, #tpu.memory_space<hbm>> -> memref<1x24x768xf32, #tpu.memory_space<hbm>>
      %dma_start3A_190 = tpu.memref_squeeze %dma_start3A_189 : memref<1x24x768xf32, #tpu.memory_space<hbm>> -> memref<24x768xf32, #tpu.memory_space<hbm>>
      tpu.enqueue_dma source(%arg6 : memref<24x768xf32, #tpu.memory_space<vmem>>) target(%dma_start3A_190 : memref<24x768xf32, #tpu.memory_space<hbm>>) target_semaphore(%arg14 : memref<!tpu.dma_semaphore, #tpu.memory_space<semaphore_mem>>)
      %add3A_191 = arith.constant 4 : i32
      %add3A_192 = arith.addi %add3A_80, %add3A_191 : i32
      %lt3A = arith.constant 64 : i32
      %lt3A_193 = arith.cmpi slt, %add3A_192, %lt3A : i32
      %convert_element_type3A = arith.extui %lt3A_193 : i1 to i32
      %cond3A = arith.constant 0 : i32
      %cond3A_194 = arith.cmpi ne, %convert_element_type3A, %cond3A : i32
      scf.if %cond3A_194 {
        %jit3A_576 = arith.constant 2 : i32
        %div3A_577 = arith.divsi %add3A_80, %jit3A_576 : i32
        %sign3A_578 = arith.constant 0 : i32
        %sign3A_579 = arith.cmpi sgt, %add3A_80, %sign3A_578 : i32
        %sign3A_580 = arith.extui %sign3A_579 : i1 to i32
        %sign3A_581 = arith.constant 0 : i32
        %sign3A_582 = arith.cmpi slt, %add3A_80, %sign3A_581 : i32
        %sign3A_583 = arith.extui %sign3A_582 : i1 to i32
        %sign3A_584 = arith.subi %sign3A_580, %sign3A_583 : i32
        %sign3A_585 = arith.constant 0 : i32
        %sign3A_586 = arith.cmpi sgt, %jit3A_576, %sign3A_585 : i32
        %sign3A_587 = arith.extui %sign3A_586 : i1 to i32
        %sign3A_588 = arith.constant 0 : i32
        %sign3A_589 = arith.cmpi slt, %jit3A_576, %sign3A_588 : i32
        %sign3A_590 = arith.extui %sign3A_589 : i1 to i32
        %sign3A_591 = arith.subi %sign3A_587, %sign3A_590 : i32
        %ne3A_592 = arith.cmpi ne, %sign3A_584, %sign3A_591 : i32
        %rem3A_593 = arith.remsi %add3A_80, %jit3A_576 : i32
        %ne3A_594 = arith.constant 0 : i32
        %ne3A_595 = arith.cmpi ne, %rem3A_593, %ne3A_594 : i32
        %and3A_596 = arith.andi %ne3A_592, %ne3A_595 : i1
        %sub3A_597 = arith.constant 1 : i32
        %sub3A_598 = arith.subi %div3A_577, %sub3A_597 : i32
        %select_n3A_599 = arith.select %and3A_596, %sub3A_598, %div3A_577 : i32
        %add3A_600 = arith.addi %mul3A_2, %select_n3A_599 : i32
        %jit3A_601 = arith.constant 2 : i32
        %div3A_602 = arith.divsi %add3A_80, %jit3A_601 : i32
        %sign3A_603 = arith.constant 0 : i32
        %sign3A_604 = arith.cmpi sgt, %add3A_80, %sign3A_603 : i32
        %sign3A_605 = arith.extui %sign3A_604 : i1 to i32
        %sign3A_606 = arith.constant 0 : i32
        %sign3A_607 = arith.cmpi slt, %add3A_80, %sign3A_606 : i32
        %sign3A_608 = arith.extui %sign3A_607 : i1 to i32
        %sign3A_609 = arith.subi %sign3A_605, %sign3A_608 : i32
        %sign3A_610 = arith.constant 0 : i32
        %sign3A_611 = arith.cmpi sgt, %jit3A_601, %sign3A_610 : i32
        %sign3A_612 = arith.extui %sign3A_611 : i1 to i32
        %sign3A_613 = arith.constant 0 : i32
        %sign3A_614 = arith.cmpi slt, %jit3A_601, %sign3A_613 : i32
        %sign3A_615 = arith.extui %sign3A_614 : i1 to i32
        %sign3A_616 = arith.subi %sign3A_612, %sign3A_615 : i32
        %ne3A_617 = arith.cmpi ne, %sign3A_609, %sign3A_616 : i32
        %rem3A_618 = arith.remsi %add3A_80, %jit3A_601 : i32
        %ne3A_619 = arith.constant 0 : i32
        %ne3A_620 = arith.cmpi ne, %rem3A_618, %ne3A_619 : i32
        %and3A_621 = arith.andi %ne3A_617, %ne3A_620 : i1
        %sub3A_622 = arith.constant 1 : i32
        %sub3A_623 = arith.subi %div3A_602, %sub3A_622 : i32
        %select_n3A_624 = arith.select %and3A_621, %sub3A_623, %div3A_602 : i32
        %mul3A_625 = arith.constant 56 : i32
        %mul3A_626 = arith.muli %select_n3A_624, %mul3A_625 : i32
        %add3A_627 = arith.constant 0 : i32
        %add3A_628 = arith.addi %mul3A_626, %add3A_627 : i32
        %dma_wait3A_629 = arith.constant 0 : i32
        %dma_wait3A_630 = arith.constant 0 : i32
        %dma_wait3A_631 = tpu.memref_slice %arg4[%add3A_600, %dma_wait3A_629, %dma_wait3A_630] : memref<1024x56x768xf32, #tpu.memory_space<hbm>> -> memref<1x24x768xf32, #tpu.memory_space<hbm>>
        %dma_wait3A_632 = tpu.memref_squeeze %dma_wait3A_631 : memref<1x24x768xf32, #tpu.memory_space<hbm>> -> memref<24x768xf32, #tpu.memory_space<hbm>>
        %dma_wait3A_633 = arith.constant 0 : i32
        %dma_wait3A_634 = arith.constant 0 : i32
        %dma_wait3A_635 = tpu.memref_slice %arg4[%add3A_600, %dma_wait3A_633, %dma_wait3A_634] : memref<1024x56x768xf32, #tpu.memory_space<hbm>> -> memref<1x24x768xf32, #tpu.memory_space<hbm>>
        %dma_wait3A_636 = tpu.memref_squeeze %dma_wait3A_635 : memref<1x24x768xf32, #tpu.memory_space<hbm>> -> memref<24x768xf32, #tpu.memory_space<hbm>>
        tpu.wait_dma2 semaphore(%arg14 : memref<!tpu.dma_semaphore, #tpu.memory_space<semaphore_mem>>) src(%arg6 : memref<24x768xf32, #tpu.memory_space<vmem>>) dst(%dma_wait3A_636 : memref<24x768xf32, #tpu.memory_space<hbm>>)
        %add3A_637 = arith.constant 4 : i32
        %add3A_638 = arith.addi %add3A_80, %add3A_637 : i32
        %jit3A_639 = arith.constant 2 : i32
        %div3A_640 = arith.divsi %add3A_638, %jit3A_639 : i32
        %sign3A_641 = arith.constant 0 : i32
        %sign3A_642 = arith.cmpi sgt, %add3A_638, %sign3A_641 : i32
        %sign3A_643 = arith.extui %sign3A_642 : i1 to i32
        %sign3A_644 = arith.constant 0 : i32
        %sign3A_645 = arith.cmpi slt, %add3A_638, %sign3A_644 : i32
        %sign3A_646 = arith.extui %sign3A_645 : i1 to i32
        %sign3A_647 = arith.subi %sign3A_643, %sign3A_646 : i32
        %sign3A_648 = arith.constant 0 : i32
        %sign3A_649 = arith.cmpi sgt, %jit3A_639, %sign3A_648 : i32
        %sign3A_650 = arith.extui %sign3A_649 : i1 to i32
        %sign3A_651 = arith.constant 0 : i32
        %sign3A_652 = arith.cmpi slt, %jit3A_639, %sign3A_651 : i32
        %sign3A_653 = arith.extui %sign3A_652 : i1 to i32
        %sign3A_654 = arith.subi %sign3A_650, %sign3A_653 : i32
        %ne3A_655 = arith.cmpi ne, %sign3A_647, %sign3A_654 : i32
        %rem3A_656 = arith.remsi %add3A_638, %jit3A_639 : i32
        %ne3A_657 = arith.constant 0 : i32
        %ne3A_658 = arith.cmpi ne, %rem3A_656, %ne3A_657 : i32
        %and3A_659 = arith.andi %ne3A_655, %ne3A_658 : i1
        %sub3A_660 = arith.constant 1 : i32
        %sub3A_661 = arith.subi %div3A_640, %sub3A_660 : i32
        %select_n3A_662 = arith.select %and3A_659, %sub3A_661, %div3A_640 : i32
        %add3A_663 = arith.addi %mul3A_2, %select_n3A_662 : i32
        %jit3A_664 = arith.constant 2 : i32
        %div3A_665 = arith.divsi %add3A_638, %jit3A_664 : i32
        %sign3A_666 = arith.constant 0 : i32
        %sign3A_667 = arith.cmpi sgt, %add3A_638, %sign3A_666 : i32
        %sign3A_668 = arith.extui %sign3A_667 : i1 to i32
        %sign3A_669 = arith.constant 0 : i32
        %sign3A_670 = arith.cmpi slt, %add3A_638, %sign3A_669 : i32
        %sign3A_671 = arith.extui %sign3A_670 : i1 to i32
        %sign3A_672 = arith.subi %sign3A_668, %sign3A_671 : i32
        %sign3A_673 = arith.constant 0 : i32
        %sign3A_674 = arith.cmpi sgt, %jit3A_664, %sign3A_673 : i32
        %sign3A_675 = arith.extui %sign3A_674 : i1 to i32
        %sign3A_676 = arith.constant 0 : i32
        %sign3A_677 = arith.cmpi slt, %jit3A_664, %sign3A_676 : i32
        %sign3A_678 = arith.extui %sign3A_677 : i1 to i32
        %sign3A_679 = arith.subi %sign3A_675, %sign3A_678 : i32
        %ne3A_680 = arith.cmpi ne, %sign3A_672, %sign3A_679 : i32
        %rem3A_681 = arith.remsi %add3A_638, %jit3A_664 : i32
        %ne3A_682 = arith.constant 0 : i32
        %ne3A_683 = arith.cmpi ne, %rem3A_681, %ne3A_682 : i32
        %and3A_684 = arith.andi %ne3A_680, %ne3A_683 : i1
        %sub3A_685 = arith.constant 1 : i32
        %sub3A_686 = arith.subi %div3A_665, %sub3A_685 : i32
        %select_n3A_687 = arith.select %and3A_684, %sub3A_686, %div3A_665 : i32
        %mul3A_688 = arith.constant 56 : i32
        %mul3A_689 = arith.muli %select_n3A_687, %mul3A_688 : i32
        %add3A_690 = arith.constant 0 : i32
        %add3A_691 = arith.addi %mul3A_689, %add3A_690 : i32
        %dma_start3A_692 = tpu.memref_slice %arg5[%add3A_691] : memref<1792xi32, #tpu.memory_space<vmem>> -> memref<24xi32, #tpu.memory_space<vmem>>
        %dma_start3A_693 = arith.constant 0 : i32
        %dma_start3A_694 = arith.constant 0 : i32
        %dma_start3A_695 = tpu.memref_slice %arg3[%dma_start3A_693, %dma_start3A_694] : memref<30522x768xf32, #tpu.memory_space<hbm>> -> memref<30522x768xf32, #tpu.memory_space<hbm>>
        tpu.enqueue_indirect_dma source(%dma_start3A_695 : memref<30522x768xf32, #tpu.memory_space<hbm>>) target(%arg6 : memref<24x768xf32, #tpu.memory_space<vmem>>) offsets(%dma_start3A_692 : memref<24xi32, #tpu.memory_space<vmem>>) semaphore(%arg10 : memref<!tpu.dma_semaphore, #tpu.memory_space<semaphore_mem>>)
      } else {
      }
      %add3A_195 = arith.constant 1 : i32
      %add3A_196 = arith.addi %mul3A_78, %add3A_195 : i32
      %jit3A_197 = arith.constant 2 : i32
      %div3A_198 = arith.divsi %add3A_196, %jit3A_197 : i32
      %sign3A_199 = arith.constant 0 : i32
      %sign3A_200 = arith.cmpi sgt, %add3A_196, %sign3A_199 : i32
      %sign3A_201 = arith.extui %sign3A_200 : i1 to i32
      %sign3A_202 = arith.constant 0 : i32
      %sign3A_203 = arith.cmpi slt, %add3A_196, %sign3A_202 : i32
      %sign3A_204 = arith.extui %sign3A_203 : i1 to i32
      %sign3A_205 = arith.subi %sign3A_201, %sign3A_204 : i32
      %sign3A_206 = arith.constant 0 : i32
      %sign3A_207 = arith.cmpi sgt, %jit3A_197, %sign3A_206 : i32
      %sign3A_208 = arith.extui %sign3A_207 : i1 to i32
      %sign3A_209 = arith.constant 0 : i32
      %sign3A_210 = arith.cmpi slt, %jit3A_197, %sign3A_209 : i32
      %sign3A_211 = arith.extui %sign3A_210 : i1 to i32
      %sign3A_212 = arith.subi %sign3A_208, %sign3A_211 : i32
      %ne3A_213 = arith.cmpi ne, %sign3A_205, %sign3A_212 : i32
      %rem3A_214 = arith.remsi %add3A_196, %jit3A_197 : i32
      %ne3A_215 = arith.constant 0 : i32
      %ne3A_216 = arith.cmpi ne, %rem3A_214, %ne3A_215 : i32
      %and3A_217 = arith.andi %ne3A_213, %ne3A_216 : i1
      %sub3A_218 = arith.constant 1 : i32
      %sub3A_219 = arith.subi %div3A_198, %sub3A_218 : i32
      %select_n3A_220 = arith.select %and3A_217, %sub3A_219, %div3A_198 : i32
      %add3A_221 = arith.addi %mul3A_2, %select_n3A_220 : i32
      %jit3A_222 = arith.constant 2 : i32
      %div3A_223 = arith.divsi %add3A_196, %jit3A_222 : i32
      %sign3A_224 = arith.constant 0 : i32
      %sign3A_225 = arith.cmpi sgt, %add3A_196, %sign3A_224 : i32
      %sign3A_226 = arith.extui %sign3A_225 : i1 to i32
      %sign3A_227 = arith.constant 0 : i32
      %sign3A_228 = arith.cmpi slt, %add3A_196, %sign3A_227 : i32
      %sign3A_229 = arith.extui %sign3A_228 : i1 to i32
      %sign3A_230 = arith.subi %sign3A_226, %sign3A_229 : i32
      %sign3A_231 = arith.constant 0 : i32
      %sign3A_232 = arith.cmpi sgt, %jit3A_222, %sign3A_231 : i32
      %sign3A_233 = arith.extui %sign3A_232 : i1 to i32
      %sign3A_234 = arith.constant 0 : i32
      %sign3A_235 = arith.cmpi slt, %jit3A_222, %sign3A_234 : i32
      %sign3A_236 = arith.extui %sign3A_235 : i1 to i32
      %sign3A_237 = arith.subi %sign3A_233, %sign3A_236 : i32
      %ne3A_238 = arith.cmpi ne, %sign3A_230, %sign3A_237 : i32
      %rem3A_239 = arith.remsi %add3A_196, %jit3A_222 : i32
      %ne3A_240 = arith.constant 0 : i32
      %ne3A_241 = arith.cmpi ne, %rem3A_239, %ne3A_240 : i32
      %and3A_242 = arith.andi %ne3A_238, %ne3A_241 : i1
      %sub3A_243 = arith.constant 1 : i32
      %sub3A_244 = arith.subi %div3A_223, %sub3A_243 : i32
      %select_n3A_245 = arith.select %and3A_242, %sub3A_244, %div3A_223 : i32
      %mul3A_246 = arith.constant 56 : i32
      %mul3A_247 = arith.muli %select_n3A_245, %mul3A_246 : i32
      %add3A_248 = arith.constant 24 : i32
      %add3A_249 = arith.addi %mul3A_247, %add3A_248 : i32
      %dma_wait3A_250 = tpu.memref_slice %arg5[%add3A_249] : memref<1792xi32, #tpu.memory_space<vmem>> -> memref<32xi32, #tpu.memory_space<vmem>>
      %dma_wait3A_251 = arith.constant 0 : i32
      %dma_wait3A_252 = arith.constant 0 : i32
      %dma_wait3A_253 = tpu.memref_slice %arg3[%dma_wait3A_251, %dma_wait3A_252] : memref<30522x768xf32, #tpu.memory_space<hbm>> -> memref<30522x768xf32, #tpu.memory_space<hbm>>
      tpu.wait_indirect_dma semaphore(%arg11 : memref<!tpu.dma_semaphore, #tpu.memory_space<semaphore_mem>>) src(%dma_wait3A_253 : memref<30522x768xf32, #tpu.memory_space<hbm>>) dst(%arg7 : memref<32x768xf32, #tpu.memory_space<vmem>>)
      %jit3A_254 = arith.constant 2 : i32
      %div3A_255 = arith.divsi %add3A_196, %jit3A_254 : i32
      %sign3A_256 = arith.constant 0 : i32
      %sign3A_257 = arith.cmpi sgt, %add3A_196, %sign3A_256 : i32
      %sign3A_258 = arith.extui %sign3A_257 : i1 to i32
      %sign3A_259 = arith.constant 0 : i32
      %sign3A_260 = arith.cmpi slt, %add3A_196, %sign3A_259 : i32
      %sign3A_261 = arith.extui %sign3A_260 : i1 to i32
      %sign3A_262 = arith.subi %sign3A_258, %sign3A_261 : i32
      %sign3A_263 = arith.constant 0 : i32
      %sign3A_264 = arith.cmpi sgt, %jit3A_254, %sign3A_263 : i32
      %sign3A_265 = arith.extui %sign3A_264 : i1 to i32
      %sign3A_266 = arith.constant 0 : i32
      %sign3A_267 = arith.cmpi slt, %jit3A_254, %sign3A_266 : i32
      %sign3A_268 = arith.extui %sign3A_267 : i1 to i32
      %sign3A_269 = arith.subi %sign3A_265, %sign3A_268 : i32
      %ne3A_270 = arith.cmpi ne, %sign3A_262, %sign3A_269 : i32
      %rem3A_271 = arith.remsi %add3A_196, %jit3A_254 : i32
      %ne3A_272 = arith.constant 0 : i32
      %ne3A_273 = arith.cmpi ne, %rem3A_271, %ne3A_272 : i32
      %and3A_274 = arith.andi %ne3A_270, %ne3A_273 : i1
      %sub3A_275 = arith.constant 1 : i32
      %sub3A_276 = arith.subi %div3A_255, %sub3A_275 : i32
      %select_n3A_277 = arith.select %and3A_274, %sub3A_276, %div3A_255 : i32
      %add3A_278 = arith.addi %mul3A_2, %select_n3A_277 : i32
      %jit3A_279 = arith.constant 2 : i32
      %div3A_280 = arith.divsi %add3A_196, %jit3A_279 : i32
      %sign3A_281 = arith.constant 0 : i32
      %sign3A_282 = arith.cmpi sgt, %add3A_196, %sign3A_281 : i32
      %sign3A_283 = arith.extui %sign3A_282 : i1 to i32
      %sign3A_284 = arith.constant 0 : i32
      %sign3A_285 = arith.cmpi slt, %add3A_196, %sign3A_284 : i32
      %sign3A_286 = arith.extui %sign3A_285 : i1 to i32
      %sign3A_287 = arith.subi %sign3A_283, %sign3A_286 : i32
      %sign3A_288 = arith.constant 0 : i32
      %sign3A_289 = arith.cmpi sgt, %jit3A_279, %sign3A_288 : i32
      %sign3A_290 = arith.extui %sign3A_289 : i1 to i32
      %sign3A_291 = arith.constant 0 : i32
      %sign3A_292 = arith.cmpi slt, %jit3A_279, %sign3A_291 : i32
      %sign3A_293 = arith.extui %sign3A_292 : i1 to i32
      %sign3A_294 = arith.subi %sign3A_290, %sign3A_293 : i32
      %ne3A_295 = arith.cmpi ne, %sign3A_287, %sign3A_294 : i32
      %rem3A_296 = arith.remsi %add3A_196, %jit3A_279 : i32
      %ne3A_297 = arith.constant 0 : i32
      %ne3A_298 = arith.cmpi ne, %rem3A_296, %ne3A_297 : i32
      %and3A_299 = arith.andi %ne3A_295, %ne3A_298 : i1
      %sub3A_300 = arith.constant 1 : i32
      %sub3A_301 = arith.subi %div3A_280, %sub3A_300 : i32
      %select_n3A_302 = arith.select %and3A_299, %sub3A_301, %div3A_280 : i32
      %mul3A_303 = arith.constant 56 : i32
      %mul3A_304 = arith.muli %select_n3A_302, %mul3A_303 : i32
      %add3A_305 = arith.constant 24 : i32
      %add3A_306 = arith.addi %mul3A_304, %add3A_305 : i32
      %dma_start3A_307 = arith.constant 24 : i32
      %dma_start3A_308 = arith.constant 0 : i32
      %dma_start3A_309 = tpu.memref_slice %arg4[%add3A_278, %dma_start3A_307, %dma_start3A_308] : memref<1024x56x768xf32, #tpu.memory_space<hbm>> -> memref<1x32x768xf32, #tpu.memory_space<hbm>>
      %dma_start3A_310 = tpu.memref_squeeze %dma_start3A_309 : memref<1x32x768xf32, #tpu.memory_space<hbm>> -> memref<32x768xf32, #tpu.memory_space<hbm>>
      %dma_start3A_311 = arith.constant 24 : i32
      %dma_start3A_312 = arith.constant 0 : i32
      %dma_start3A_313 = tpu.memref_slice %arg4[%add3A_278, %dma_start3A_311, %dma_start3A_312] : memref<1024x56x768xf32, #tpu.memory_space<hbm>> -> memref<1x32x768xf32, #tpu.memory_space<hbm>>
      %dma_start3A_314 = tpu.memref_squeeze %dma_start3A_313 : memref<1x32x768xf32, #tpu.memory_space<hbm>> -> memref<32x768xf32, #tpu.memory_space<hbm>>
      tpu.enqueue_dma source(%arg7 : memref<32x768xf32, #tpu.memory_space<vmem>>) target(%dma_start3A_314 : memref<32x768xf32, #tpu.memory_space<hbm>>) target_semaphore(%arg15 : memref<!tpu.dma_semaphore, #tpu.memory_space<semaphore_mem>>)
      %add3A_315 = arith.constant 4 : i32
      %add3A_316 = arith.addi %add3A_196, %add3A_315 : i32
      %lt3A_317 = arith.constant 64 : i32
      %lt3A_318 = arith.cmpi slt, %add3A_316, %lt3A_317 : i32
      %convert_element_type3A_319 = arith.extui %lt3A_318 : i1 to i32
      %cond3A_320 = arith.constant 0 : i32
      %cond3A_321 = arith.cmpi ne, %convert_element_type3A_319, %cond3A_320 : i32
      scf.if %cond3A_321 {
        %jit3A_576 = arith.constant 2 : i32
        %div3A_577 = arith.divsi %add3A_196, %jit3A_576 : i32
        %sign3A_578 = arith.constant 0 : i32
        %sign3A_579 = arith.cmpi sgt, %add3A_196, %sign3A_578 : i32
        %sign3A_580 = arith.extui %sign3A_579 : i1 to i32
        %sign3A_581 = arith.constant 0 : i32
        %sign3A_582 = arith.cmpi slt, %add3A_196, %sign3A_581 : i32
        %sign3A_583 = arith.extui %sign3A_582 : i1 to i32
        %sign3A_584 = arith.subi %sign3A_580, %sign3A_583 : i32
        %sign3A_585 = arith.constant 0 : i32
        %sign3A_586 = arith.cmpi sgt, %jit3A_576, %sign3A_585 : i32
        %sign3A_587 = arith.extui %sign3A_586 : i1 to i32
        %sign3A_588 = arith.constant 0 : i32
        %sign3A_589 = arith.cmpi slt, %jit3A_576, %sign3A_588 : i32
        %sign3A_590 = arith.extui %sign3A_589 : i1 to i32
        %sign3A_591 = arith.subi %sign3A_587, %sign3A_590 : i32
        %ne3A_592 = arith.cmpi ne, %sign3A_584, %sign3A_591 : i32
        %rem3A_593 = arith.remsi %add3A_196, %jit3A_576 : i32
        %ne3A_594 = arith.constant 0 : i32
        %ne3A_595 = arith.cmpi ne, %rem3A_593, %ne3A_594 : i32
        %and3A_596 = arith.andi %ne3A_592, %ne3A_595 : i1
        %sub3A_597 = arith.constant 1 : i32
        %sub3A_598 = arith.subi %div3A_577, %sub3A_597 : i32
        %select_n3A_599 = arith.select %and3A_596, %sub3A_598, %div3A_577 : i32
        %add3A_600 = arith.addi %mul3A_2, %select_n3A_599 : i32
        %jit3A_601 = arith.constant 2 : i32
        %div3A_602 = arith.divsi %add3A_196, %jit3A_601 : i32
        %sign3A_603 = arith.constant 0 : i32
        %sign3A_604 = arith.cmpi sgt, %add3A_196, %sign3A_603 : i32
        %sign3A_605 = arith.extui %sign3A_604 : i1 to i32
        %sign3A_606 = arith.constant 0 : i32
        %sign3A_607 = arith.cmpi slt, %add3A_196, %sign3A_606 : i32
        %sign3A_608 = arith.extui %sign3A_607 : i1 to i32
        %sign3A_609 = arith.subi %sign3A_605, %sign3A_608 : i32
        %sign3A_610 = arith.constant 0 : i32
        %sign3A_611 = arith.cmpi sgt, %jit3A_601, %sign3A_610 : i32
        %sign3A_612 = arith.extui %sign3A_611 : i1 to i32
        %sign3A_613 = arith.constant 0 : i32
        %sign3A_614 = arith.cmpi slt, %jit3A_601, %sign3A_613 : i32
        %sign3A_615 = arith.extui %sign3A_614 : i1 to i32
        %sign3A_616 = arith.subi %sign3A_612, %sign3A_615 : i32
        %ne3A_617 = arith.cmpi ne, %sign3A_609, %sign3A_616 : i32
        %rem3A_618 = arith.remsi %add3A_196, %jit3A_601 : i32
        %ne3A_619 = arith.constant 0 : i32
        %ne3A_620 = arith.cmpi ne, %rem3A_618, %ne3A_619 : i32
        %and3A_621 = arith.andi %ne3A_617, %ne3A_620 : i1
        %sub3A_622 = arith.constant 1 : i32
        %sub3A_623 = arith.subi %div3A_602, %sub3A_622 : i32
        %select_n3A_624 = arith.select %and3A_621, %sub3A_623, %div3A_602 : i32
        %mul3A_625 = arith.constant 56 : i32
        %mul3A_626 = arith.muli %select_n3A_624, %mul3A_625 : i32
        %add3A_627 = arith.constant 24 : i32
        %add3A_628 = arith.addi %mul3A_626, %add3A_627 : i32
        %dma_wait3A_629 = arith.constant 24 : i32
        %dma_wait3A_630 = arith.constant 0 : i32
        %dma_wait3A_631 = tpu.memref_slice %arg4[%add3A_600, %dma_wait3A_629, %dma_wait3A_630] : memref<1024x56x768xf32, #tpu.memory_space<hbm>> -> memref<1x32x768xf32, #tpu.memory_space<hbm>>
        %dma_wait3A_632 = tpu.memref_squeeze %dma_wait3A_631 : memref<1x32x768xf32, #tpu.memory_space<hbm>> -> memref<32x768xf32, #tpu.memory_space<hbm>>
        %dma_wait3A_633 = arith.constant 24 : i32
        %dma_wait3A_634 = arith.constant 0 : i32
        %dma_wait3A_635 = tpu.memref_slice %arg4[%add3A_600, %dma_wait3A_633, %dma_wait3A_634] : memref<1024x56x768xf32, #tpu.memory_space<hbm>> -> memref<1x32x768xf32, #tpu.memory_space<hbm>>
        %dma_wait3A_636 = tpu.memref_squeeze %dma_wait3A_635 : memref<1x32x768xf32, #tpu.memory_space<hbm>> -> memref<32x768xf32, #tpu.memory_space<hbm>>
        tpu.wait_dma2 semaphore(%arg15 : memref<!tpu.dma_semaphore, #tpu.memory_space<semaphore_mem>>) src(%arg7 : memref<32x768xf32, #tpu.memory_space<vmem>>) dst(%dma_wait3A_636 : memref<32x768xf32, #tpu.memory_space<hbm>>)
        %add3A_637 = arith.constant 4 : i32
        %add3A_638 = arith.addi %add3A_196, %add3A_637 : i32
        %jit3A_639 = arith.constant 2 : i32
        %div3A_640 = arith.divsi %add3A_638, %jit3A_639 : i32
        %sign3A_641 = arith.constant 0 : i32
        %sign3A_642 = arith.cmpi sgt, %add3A_638, %sign3A_641 : i32
        %sign3A_643 = arith.extui %sign3A_642 : i1 to i32
        %sign3A_644 = arith.constant 0 : i32
        %sign3A_645 = arith.cmpi slt, %add3A_638, %sign3A_644 : i32
        %sign3A_646 = arith.extui %sign3A_645 : i1 to i32
        %sign3A_647 = arith.subi %sign3A_643, %sign3A_646 : i32
        %sign3A_648 = arith.constant 0 : i32
        %sign3A_649 = arith.cmpi sgt, %jit3A_639, %sign3A_648 : i32
        %sign3A_650 = arith.extui %sign3A_649 : i1 to i32
        %sign3A_651 = arith.constant 0 : i32
        %sign3A_652 = arith.cmpi slt, %jit3A_639, %sign3A_651 : i32
        %sign3A_653 = arith.extui %sign3A_652 : i1 to i32
        %sign3A_654 = arith.subi %sign3A_650, %sign3A_653 : i32
        %ne3A_655 = arith.cmpi ne, %sign3A_647, %sign3A_654 : i32
        %rem3A_656 = arith.remsi %add3A_638, %jit3A_639 : i32
        %ne3A_657 = arith.constant 0 : i32
        %ne3A_658 = arith.cmpi ne, %rem3A_656, %ne3A_657 : i32
        %and3A_659 = arith.andi %ne3A_655, %ne3A_658 : i1
        %sub3A_660 = arith.constant 1 : i32
        %sub3A_661 = arith.subi %div3A_640, %sub3A_660 : i32
        %select_n3A_662 = arith.select %and3A_659, %sub3A_661, %div3A_640 : i32
        %add3A_663 = arith.addi %mul3A_2, %select_n3A_662 : i32
        %jit3A_664 = arith.constant 2 : i32
        %div3A_665 = arith.divsi %add3A_638, %jit3A_664 : i32
        %sign3A_666 = arith.constant 0 : i32
        %sign3A_667 = arith.cmpi sgt, %add3A_638, %sign3A_666 : i32
        %sign3A_668 = arith.extui %sign3A_667 : i1 to i32
        %sign3A_669 = arith.constant 0 : i32
        %sign3A_670 = arith.cmpi slt, %add3A_638, %sign3A_669 : i32
        %sign3A_671 = arith.extui %sign3A_670 : i1 to i32
        %sign3A_672 = arith.subi %sign3A_668, %sign3A_671 : i32
        %sign3A_673 = arith.constant 0 : i32
        %sign3A_674 = arith.cmpi sgt, %jit3A_664, %sign3A_673 : i32
        %sign3A_675 = arith.extui %sign3A_674 : i1 to i32
        %sign3A_676 = arith.constant 0 : i32
        %sign3A_677 = arith.cmpi slt, %jit3A_664, %sign3A_676 : i32
        %sign3A_678 = arith.extui %sign3A_677 : i1 to i32
        %sign3A_679 = arith.subi %sign3A_675, %sign3A_678 : i32
        %ne3A_680 = arith.cmpi ne, %sign3A_672, %sign3A_679 : i32
        %rem3A_681 = arith.remsi %add3A_638, %jit3A_664 : i32
        %ne3A_682 = arith.constant 0 : i32
        %ne3A_683 = arith.cmpi ne, %rem3A_681, %ne3A_682 : i32
        %and3A_684 = arith.andi %ne3A_680, %ne3A_683 : i1
        %sub3A_685 = arith.constant 1 : i32
        %sub3A_686 = arith.subi %div3A_665, %sub3A_685 : i32
        %select_n3A_687 = arith.select %and3A_684, %sub3A_686, %div3A_665 : i32
        %mul3A_688 = arith.constant 56 : i32
        %mul3A_689 = arith.muli %select_n3A_687, %mul3A_688 : i32
        %add3A_690 = arith.constant 24 : i32
        %add3A_691 = arith.addi %mul3A_689, %add3A_690 : i32
        %dma_start3A_692 = tpu.memref_slice %arg5[%add3A_691] : memref<1792xi32, #tpu.memory_space<vmem>> -> memref<32xi32, #tpu.memory_space<vmem>>
        %dma_start3A_693 = arith.constant 0 : i32
        %dma_start3A_694 = arith.constant 0 : i32
        %dma_start3A_695 = tpu.memref_slice %arg3[%dma_start3A_693, %dma_start3A_694] : memref<30522x768xf32, #tpu.memory_space<hbm>> -> memref<30522x768xf32, #tpu.memory_space<hbm>>
        tpu.enqueue_indirect_dma source(%dma_start3A_695 : memref<30522x768xf32, #tpu.memory_space<hbm>>) target(%arg7 : memref<32x768xf32, #tpu.memory_space<vmem>>) offsets(%dma_start3A_692 : memref<32xi32, #tpu.memory_space<vmem>>) semaphore(%arg11 : memref<!tpu.dma_semaphore, #tpu.memory_space<semaphore_mem>>)
      } else {
      }
      %add3A_322 = arith.constant 2 : i32
      %add3A_323 = arith.addi %mul3A_78, %add3A_322 : i32
      %jit3A_324 = arith.constant 2 : i32
      %div3A_325 = arith.divsi %add3A_323, %jit3A_324 : i32
      %sign3A_326 = arith.constant 0 : i32
      %sign3A_327 = arith.cmpi sgt, %add3A_323, %sign3A_326 : i32
      %sign3A_328 = arith.extui %sign3A_327 : i1 to i32
      %sign3A_329 = arith.constant 0 : i32
      %sign3A_330 = arith.cmpi slt, %add3A_323, %sign3A_329 : i32
      %sign3A_331 = arith.extui %sign3A_330 : i1 to i32
      %sign3A_332 = arith.subi %sign3A_328, %sign3A_331 : i32
      %sign3A_333 = arith.constant 0 : i32
      %sign3A_334 = arith.cmpi sgt, %jit3A_324, %sign3A_333 : i32
      %sign3A_335 = arith.extui %sign3A_334 : i1 to i32
      %sign3A_336 = arith.constant 0 : i32
      %sign3A_337 = arith.cmpi slt, %jit3A_324, %sign3A_336 : i32
      %sign3A_338 = arith.extui %sign3A_337 : i1 to i32
      %sign3A_339 = arith.subi %sign3A_335, %sign3A_338 : i32
      %ne3A_340 = arith.cmpi ne, %sign3A_332, %sign3A_339 : i32
      %rem3A_341 = arith.remsi %add3A_323, %jit3A_324 : i32
      %ne3A_342 = arith.constant 0 : i32
      %ne3A_343 = arith.cmpi ne, %rem3A_341, %ne3A_342 : i32
      %and3A_344 = arith.andi %ne3A_340, %ne3A_343 : i1
      %sub3A_345 = arith.constant 1 : i32
      %sub3A_346 = arith.subi %div3A_325, %sub3A_345 : i32
      %select_n3A_347 = arith.select %and3A_344, %sub3A_346, %div3A_325 : i32
      %add3A_348 = arith.addi %mul3A_2, %select_n3A_347 : i32
      %jit3A_349 = arith.constant 2 : i32
      %div3A_350 = arith.divsi %add3A_323, %jit3A_349 : i32
      %sign3A_351 = arith.constant 0 : i32
      %sign3A_352 = arith.cmpi sgt, %add3A_323, %sign3A_351 : i32
      %sign3A_353 = arith.extui %sign3A_352 : i1 to i32
      %sign3A_354 = arith.constant 0 : i32
      %sign3A_355 = arith.cmpi slt, %add3A_323, %sign3A_354 : i32
      %sign3A_356 = arith.extui %sign3A_355 : i1 to i32
      %sign3A_357 = arith.subi %sign3A_353, %sign3A_356 : i32
      %sign3A_358 = arith.constant 0 : i32
      %sign3A_359 = arith.cmpi sgt, %jit3A_349, %sign3A_358 : i32
      %sign3A_360 = arith.extui %sign3A_359 : i1 to i32
      %sign3A_361 = arith.constant 0 : i32
      %sign3A_362 = arith.cmpi slt, %jit3A_349, %sign3A_361 : i32
      %sign3A_363 = arith.extui %sign3A_362 : i1 to i32
      %sign3A_364 = arith.subi %sign3A_360, %sign3A_363 : i32
      %ne3A_365 = arith.cmpi ne, %sign3A_357, %sign3A_364 : i32
      %rem3A_366 = arith.remsi %add3A_323, %jit3A_349 : i32
      %ne3A_367 = arith.constant 0 : i32
      %ne3A_368 = arith.cmpi ne, %rem3A_366, %ne3A_367 : i32
      %and3A_369 = arith.andi %ne3A_365, %ne3A_368 : i1
      %sub3A_370 = arith.constant 1 : i32
      %sub3A_371 = arith.subi %div3A_350, %sub3A_370 : i32
      %select_n3A_372 = arith.select %and3A_369, %sub3A_371, %div3A_350 : i32
      %mul3A_373 = arith.constant 56 : i32
      %mul3A_374 = arith.muli %select_n3A_372, %mul3A_373 : i32
      %add3A_375 = arith.constant 0 : i32
      %add3A_376 = arith.addi %mul3A_374, %add3A_375 : i32
      %dma_wait3A_377 = tpu.memref_slice %arg5[%add3A_376] : memref<1792xi32, #tpu.memory_space<vmem>> -> memref<24xi32, #tpu.memory_space<vmem>>
      %dma_wait3A_378 = arith.constant 0 : i32
      %dma_wait3A_379 = arith.constant 0 : i32
      %dma_wait3A_380 = tpu.memref_slice %arg3[%dma_wait3A_378, %dma_wait3A_379] : memref<30522x768xf32, #tpu.memory_space<hbm>> -> memref<30522x768xf32, #tpu.memory_space<hbm>>
      tpu.wait_indirect_dma semaphore(%arg12 : memref<!tpu.dma_semaphore, #tpu.memory_space<semaphore_mem>>) src(%dma_wait3A_380 : memref<30522x768xf32, #tpu.memory_space<hbm>>) dst(%arg8 : memref<24x768xf32, #tpu.memory_space<vmem>>)
      %jit3A_381 = arith.constant 2 : i32
      %div3A_382 = arith.divsi %add3A_323, %jit3A_381 : i32
      %sign3A_383 = arith.constant 0 : i32
      %sign3A_384 = arith.cmpi sgt, %add3A_323, %sign3A_383 : i32
      %sign3A_385 = arith.extui %sign3A_384 : i1 to i32
      %sign3A_386 = arith.constant 0 : i32
      %sign3A_387 = arith.cmpi slt, %add3A_323, %sign3A_386 : i32
      %sign3A_388 = arith.extui %sign3A_387 : i1 to i32
      %sign3A_389 = arith.subi %sign3A_385, %sign3A_388 : i32
      %sign3A_390 = arith.constant 0 : i32
      %sign3A_391 = arith.cmpi sgt, %jit3A_381, %sign3A_390 : i32
      %sign3A_392 = arith.extui %sign3A_391 : i1 to i32
      %sign3A_393 = arith.constant 0 : i32
      %sign3A_394 = arith.cmpi slt, %jit3A_381, %sign3A_393 : i32
      %sign3A_395 = arith.extui %sign3A_394 : i1 to i32
      %sign3A_396 = arith.subi %sign3A_392, %sign3A_395 : i32
      %ne3A_397 = arith.cmpi ne, %sign3A_389, %sign3A_396 : i32
      %rem3A_398 = arith.remsi %add3A_323, %jit3A_381 : i32
      %ne3A_399 = arith.constant 0 : i32
      %ne3A_400 = arith.cmpi ne, %rem3A_398, %ne3A_399 : i32
      %and3A_401 = arith.andi %ne3A_397, %ne3A_400 : i1
      %sub3A_402 = arith.constant 1 : i32
      %sub3A_403 = arith.subi %div3A_382, %sub3A_402 : i32
      %select_n3A_404 = arith.select %and3A_401, %sub3A_403, %div3A_382 : i32
      %add3A_405 = arith.addi %mul3A_2, %select_n3A_404 : i32
      %jit3A_406 = arith.constant 2 : i32
      %div3A_407 = arith.divsi %add3A_323, %jit3A_406 : i32
      %sign3A_408 = arith.constant 0 : i32
      %sign3A_409 = arith.cmpi sgt, %add3A_323, %sign3A_408 : i32
      %sign3A_410 = arith.extui %sign3A_409 : i1 to i32
      %sign3A_411 = arith.constant 0 : i32
      %sign3A_412 = arith.cmpi slt, %add3A_323, %sign3A_411 : i32
      %sign3A_413 = arith.extui %sign3A_412 : i1 to i32
      %sign3A_414 = arith.subi %sign3A_410, %sign3A_413 : i32
      %sign3A_415 = arith.constant 0 : i32
      %sign3A_416 = arith.cmpi sgt, %jit3A_406, %sign3A_415 : i32
      %sign3A_417 = arith.extui %sign3A_416 : i1 to i32
      %sign3A_418 = arith.constant 0 : i32
      %sign3A_419 = arith.cmpi slt, %jit3A_406, %sign3A_418 : i32
      %sign3A_420 = arith.extui %sign3A_419 : i1 to i32
      %sign3A_421 = arith.subi %sign3A_417, %sign3A_420 : i32
      %ne3A_422 = arith.cmpi ne, %sign3A_414, %sign3A_421 : i32
      %rem3A_423 = arith.remsi %add3A_323, %jit3A_406 : i32
      %ne3A_424 = arith.constant 0 : i32
      %ne3A_425 = arith.cmpi ne, %rem3A_423, %ne3A_424 : i32
      %and3A_426 = arith.andi %ne3A_422, %ne3A_425 : i1
      %sub3A_427 = arith.constant 1 : i32
      %sub3A_428 = arith.subi %div3A_407, %sub3A_427 : i32
      %select_n3A_429 = arith.select %and3A_426, %sub3A_428, %div3A_407 : i32
      %mul3A_430 = arith.constant 56 : i32
      %mul3A_431 = arith.muli %select_n3A_429, %mul3A_430 : i32
      %add3A_432 = arith.constant 0 : i32
      %add3A_433 = arith.addi %mul3A_431, %add3A_432 : i32
      %dma_start3A_434 = arith.constant 0 : i32
      %dma_start3A_435 = arith.constant 0 : i32
      %dma_start3A_436 = tpu.memref_slice %arg4[%add3A_405, %dma_start3A_434, %dma_start3A_435] : memref<1024x56x768xf32, #tpu.memory_space<hbm>> -> memref<1x24x768xf32, #tpu.memory_space<hbm>>
      %dma_start3A_437 = tpu.memref_squeeze %dma_start3A_436 : memref<1x24x768xf32, #tpu.memory_space<hbm>> -> memref<24x768xf32, #tpu.memory_space<hbm>>
      %dma_start3A_438 = arith.constant 0 : i32
      %dma_start3A_439 = arith.constant 0 : i32
      %dma_start3A_440 = tpu.memref_slice %arg4[%add3A_405, %dma_start3A_438, %dma_start3A_439] : memref<1024x56x768xf32, #tpu.memory_space<hbm>> -> memref<1x24x768xf32, #tpu.memory_space<hbm>>
      %dma_start3A_441 = tpu.memref_squeeze %dma_start3A_440 : memref<1x24x768xf32, #tpu.memory_space<hbm>> -> memref<24x768xf32, #tpu.memory_space<hbm>>
      tpu.enqueue_dma source(%arg8 : memref<24x768xf32, #tpu.memory_space<vmem>>) target(%dma_start3A_441 : memref<24x768xf32, #tpu.memory_space<hbm>>) target_semaphore(%arg16 : memref<!tpu.dma_semaphore, #tpu.memory_space<semaphore_mem>>)
      %add3A_442 = arith.constant 4 : i32
      %add3A_443 = arith.addi %add3A_323, %add3A_442 : i32
      %lt3A_444 = arith.constant 64 : i32
      %lt3A_445 = arith.cmpi slt, %add3A_443, %lt3A_444 : i32
      %convert_element_type3A_446 = arith.extui %lt3A_445 : i1 to i32
      %cond3A_447 = arith.constant 0 : i32
      %cond3A_448 = arith.cmpi ne, %convert_element_type3A_446, %cond3A_447 : i32
      scf.if %cond3A_448 {
        %jit3A_576 = arith.constant 2 : i32
        %div3A_577 = arith.divsi %add3A_323, %jit3A_576 : i32
        %sign3A_578 = arith.constant 0 : i32
        %sign3A_579 = arith.cmpi sgt, %add3A_323, %sign3A_578 : i32
        %sign3A_580 = arith.extui %sign3A_579 : i1 to i32
        %sign3A_581 = arith.constant 0 : i32
        %sign3A_582 = arith.cmpi slt, %add3A_323, %sign3A_581 : i32
        %sign3A_583 = arith.extui %sign3A_582 : i1 to i32
        %sign3A_584 = arith.subi %sign3A_580, %sign3A_583 : i32
        %sign3A_585 = arith.constant 0 : i32
        %sign3A_586 = arith.cmpi sgt, %jit3A_576, %sign3A_585 : i32
        %sign3A_587 = arith.extui %sign3A_586 : i1 to i32
        %sign3A_588 = arith.constant 0 : i32
        %sign3A_589 = arith.cmpi slt, %jit3A_576, %sign3A_588 : i32
        %sign3A_590 = arith.extui %sign3A_589 : i1 to i32
        %sign3A_591 = arith.subi %sign3A_587, %sign3A_590 : i32
        %ne3A_592 = arith.cmpi ne, %sign3A_584, %sign3A_591 : i32
        %rem3A_593 = arith.remsi %add3A_323, %jit3A_576 : i32
        %ne3A_594 = arith.constant 0 : i32
        %ne3A_595 = arith.cmpi ne, %rem3A_593, %ne3A_594 : i32
        %and3A_596 = arith.andi %ne3A_592, %ne3A_595 : i1
        %sub3A_597 = arith.constant 1 : i32
        %sub3A_598 = arith.subi %div3A_577, %sub3A_597 : i32
        %select_n3A_599 = arith.select %and3A_596, %sub3A_598, %div3A_577 : i32
        %add3A_600 = arith.addi %mul3A_2, %select_n3A_599 : i32
        %jit3A_601 = arith.constant 2 : i32
        %div3A_602 = arith.divsi %add3A_323, %jit3A_601 : i32
        %sign3A_603 = arith.constant 0 : i32
        %sign3A_604 = arith.cmpi sgt, %add3A_323, %sign3A_603 : i32
        %sign3A_605 = arith.extui %sign3A_604 : i1 to i32
        %sign3A_606 = arith.constant 0 : i32
        %sign3A_607 = arith.cmpi slt, %add3A_323, %sign3A_606 : i32
        %sign3A_608 = arith.extui %sign3A_607 : i1 to i32
        %sign3A_609 = arith.subi %sign3A_605, %sign3A_608 : i32
        %sign3A_610 = arith.constant 0 : i32
        %sign3A_611 = arith.cmpi sgt, %jit3A_601, %sign3A_610 : i32
        %sign3A_612 = arith.extui %sign3A_611 : i1 to i32
        %sign3A_613 = arith.constant 0 : i32
        %sign3A_614 = arith.cmpi slt, %jit3A_601, %sign3A_613 : i32
        %sign3A_615 = arith.extui %sign3A_614 : i1 to i32
        %sign3A_616 = arith.subi %sign3A_612, %sign3A_615 : i32
        %ne3A_617 = arith.cmpi ne, %sign3A_609, %sign3A_616 : i32
        %rem3A_618 = arith.remsi %add3A_323, %jit3A_601 : i32
        %ne3A_619 = arith.constant 0 : i32
        %ne3A_620 = arith.cmpi ne, %rem3A_618, %ne3A_619 : i32
        %and3A_621 = arith.andi %ne3A_617, %ne3A_620 : i1
        %sub3A_622 = arith.constant 1 : i32
        %sub3A_623 = arith.subi %div3A_602, %sub3A_622 : i32
        %select_n3A_624 = arith.select %and3A_621, %sub3A_623, %div3A_602 : i32
        %mul3A_625 = arith.constant 56 : i32
        %mul3A_626 = arith.muli %select_n3A_624, %mul3A_625 : i32
        %add3A_627 = arith.constant 0 : i32
        %add3A_628 = arith.addi %mul3A_626, %add3A_627 : i32
        %dma_wait3A_629 = arith.constant 0 : i32
        %dma_wait3A_630 = arith.constant 0 : i32
        %dma_wait3A_631 = tpu.memref_slice %arg4[%add3A_600, %dma_wait3A_629, %dma_wait3A_630] : memref<1024x56x768xf32, #tpu.memory_space<hbm>> -> memref<1x24x768xf32, #tpu.memory_space<hbm>>
        %dma_wait3A_632 = tpu.memref_squeeze %dma_wait3A_631 : memref<1x24x768xf32, #tpu.memory_space<hbm>> -> memref<24x768xf32, #tpu.memory_space<hbm>>
        %dma_wait3A_633 = arith.constant 0 : i32
        %dma_wait3A_634 = arith.constant 0 : i32
        %dma_wait3A_635 = tpu.memref_slice %arg4[%add3A_600, %dma_wait3A_633, %dma_wait3A_634] : memref<1024x56x768xf32, #tpu.memory_space<hbm>> -> memref<1x24x768xf32, #tpu.memory_space<hbm>>
        %dma_wait3A_636 = tpu.memref_squeeze %dma_wait3A_635 : memref<1x24x768xf32, #tpu.memory_space<hbm>> -> memref<24x768xf32, #tpu.memory_space<hbm>>
        tpu.wait_dma2 semaphore(%arg16 : memref<!tpu.dma_semaphore, #tpu.memory_space<semaphore_mem>>) src(%arg8 : memref<24x768xf32, #tpu.memory_space<vmem>>) dst(%dma_wait3A_636 : memref<24x768xf32, #tpu.memory_space<hbm>>)
        %add3A_637 = arith.constant 4 : i32
        %add3A_638 = arith.addi %add3A_323, %add3A_637 : i32
        %jit3A_639 = arith.constant 2 : i32
        %div3A_640 = arith.divsi %add3A_638, %jit3A_639 : i32
        %sign3A_641 = arith.constant 0 : i32
        %sign3A_642 = arith.cmpi sgt, %add3A_638, %sign3A_641 : i32
        %sign3A_643 = arith.extui %sign3A_642 : i1 to i32
        %sign3A_644 = arith.constant 0 : i32
        %sign3A_645 = arith.cmpi slt, %add3A_638, %sign3A_644 : i32
        %sign3A_646 = arith.extui %sign3A_645 : i1 to i32
        %sign3A_647 = arith.subi %sign3A_643, %sign3A_646 : i32
        %sign3A_648 = arith.constant 0 : i32
        %sign3A_649 = arith.cmpi sgt, %jit3A_639, %sign3A_648 : i32
        %sign3A_650 = arith.extui %sign3A_649 : i1 to i32
        %sign3A_651 = arith.constant 0 : i32
        %sign3A_652 = arith.cmpi slt, %jit3A_639, %sign3A_651 : i32
        %sign3A_653 = arith.extui %sign3A_652 : i1 to i32
        %sign3A_654 = arith.subi %sign3A_650, %sign3A_653 : i32
        %ne3A_655 = arith.cmpi ne, %sign3A_647, %sign3A_654 : i32
        %rem3A_656 = arith.remsi %add3A_638, %jit3A_639 : i32
        %ne3A_657 = arith.constant 0 : i32
        %ne3A_658 = arith.cmpi ne, %rem3A_656, %ne3A_657 : i32
        %and3A_659 = arith.andi %ne3A_655, %ne3A_658 : i1
        %sub3A_660 = arith.constant 1 : i32
        %sub3A_661 = arith.subi %div3A_640, %sub3A_660 : i32
        %select_n3A_662 = arith.select %and3A_659, %sub3A_661, %div3A_640 : i32
        %add3A_663 = arith.addi %mul3A_2, %select_n3A_662 : i32
        %jit3A_664 = arith.constant 2 : i32
        %div3A_665 = arith.divsi %add3A_638, %jit3A_664 : i32
        %sign3A_666 = arith.constant 0 : i32
        %sign3A_667 = arith.cmpi sgt, %add3A_638, %sign3A_666 : i32
        %sign3A_668 = arith.extui %sign3A_667 : i1 to i32
        %sign3A_669 = arith.constant 0 : i32
        %sign3A_670 = arith.cmpi slt, %add3A_638, %sign3A_669 : i32
        %sign3A_671 = arith.extui %sign3A_670 : i1 to i32
        %sign3A_672 = arith.subi %sign3A_668, %sign3A_671 : i32
        %sign3A_673 = arith.constant 0 : i32
        %sign3A_674 = arith.cmpi sgt, %jit3A_664, %sign3A_673 : i32
        %sign3A_675 = arith.extui %sign3A_674 : i1 to i32
        %sign3A_676 = arith.constant 0 : i32
        %sign3A_677 = arith.cmpi slt, %jit3A_664, %sign3A_676 : i32
        %sign3A_678 = arith.extui %sign3A_677 : i1 to i32
        %sign3A_679 = arith.subi %sign3A_675, %sign3A_678 : i32
        %ne3A_680 = arith.cmpi ne, %sign3A_672, %sign3A_679 : i32
        %rem3A_681 = arith.remsi %add3A_638, %jit3A_664 : i32
        %ne3A_682 = arith.constant 0 : i32
        %ne3A_683 = arith.cmpi ne, %rem3A_681, %ne3A_682 : i32
        %and3A_684 = arith.andi %ne3A_680, %ne3A_683 : i1
        %sub3A_685 = arith.constant 1 : i32
        %sub3A_686 = arith.subi %div3A_665, %sub3A_685 : i32
        %select_n3A_687 = arith.select %and3A_684, %sub3A_686, %div3A_665 : i32
        %mul3A_688 = arith.constant 56 : i32
        %mul3A_689 = arith.muli %select_n3A_687, %mul3A_688 : i32
        %add3A_690 = arith.constant 0 : i32
        %add3A_691 = arith.addi %mul3A_689, %add3A_690 : i32
        %dma_start3A_692 = tpu.memref_slice %arg5[%add3A_691] : memref<1792xi32, #tpu.memory_space<vmem>> -> memref<24xi32, #tpu.memory_space<vmem>>
        %dma_start3A_693 = arith.constant 0 : i32
        %dma_start3A_694 = arith.constant 0 : i32
        %dma_start3A_695 = tpu.memref_slice %arg3[%dma_start3A_693, %dma_start3A_694] : memref<30522x768xf32, #tpu.memory_space<hbm>> -> memref<30522x768xf32, #tpu.memory_space<hbm>>
        tpu.enqueue_indirect_dma source(%dma_start3A_695 : memref<30522x768xf32, #tpu.memory_space<hbm>>) target(%arg8 : memref<24x768xf32, #tpu.memory_space<vmem>>) offsets(%dma_start3A_692 : memref<24xi32, #tpu.memory_space<vmem>>) semaphore(%arg12 : memref<!tpu.dma_semaphore, #tpu.memory_space<semaphore_mem>>)
      } else {
      }
      %add3A_449 = arith.constant 3 : i32
      %add3A_450 = arith.addi %mul3A_78, %add3A_449 : i32
      %jit3A_451 = arith.constant 2 : i32
      %div3A_452 = arith.divsi %add3A_450, %jit3A_451 : i32
      %sign3A_453 = arith.constant 0 : i32
      %sign3A_454 = arith.cmpi sgt, %add3A_450, %sign3A_453 : i32
      %sign3A_455 = arith.extui %sign3A_454 : i1 to i32
      %sign3A_456 = arith.constant 0 : i32
      %sign3A_457 = arith.cmpi slt, %add3A_450, %sign3A_456 : i32
      %sign3A_458 = arith.extui %sign3A_457 : i1 to i32
      %sign3A_459 = arith.subi %sign3A_455, %sign3A_458 : i32
      %sign3A_460 = arith.constant 0 : i32
      %sign3A_461 = arith.cmpi sgt, %jit3A_451, %sign3A_460 : i32
      %sign3A_462 = arith.extui %sign3A_461 : i1 to i32
      %sign3A_463 = arith.constant 0 : i32
      %sign3A_464 = arith.cmpi slt, %jit3A_451, %sign3A_463 : i32
      %sign3A_465 = arith.extui %sign3A_464 : i1 to i32
      %sign3A_466 = arith.subi %sign3A_462, %sign3A_465 : i32
      %ne3A_467 = arith.cmpi ne, %sign3A_459, %sign3A_466 : i32
      %rem3A_468 = arith.remsi %add3A_450, %jit3A_451 : i32
      %ne3A_469 = arith.constant 0 : i32
      %ne3A_470 = arith.cmpi ne, %rem3A_468, %ne3A_469 : i32
      %and3A_471 = arith.andi %ne3A_467, %ne3A_470 : i1
      %sub3A_472 = arith.constant 1 : i32
      %sub3A_473 = arith.subi %div3A_452, %sub3A_472 : i32
      %select_n3A_474 = arith.select %and3A_471, %sub3A_473, %div3A_452 : i32
      %add3A_475 = arith.addi %mul3A_2, %select_n3A_474 : i32
      %jit3A_476 = arith.constant 2 : i32
      %div3A_477 = arith.divsi %add3A_450, %jit3A_476 : i32
      %sign3A_478 = arith.constant 0 : i32
      %sign3A_479 = arith.cmpi sgt, %add3A_450, %sign3A_478 : i32
      %sign3A_480 = arith.extui %sign3A_479 : i1 to i32
      %sign3A_481 = arith.constant 0 : i32
      %sign3A_482 = arith.cmpi slt, %add3A_450, %sign3A_481 : i32
      %sign3A_483 = arith.extui %sign3A_482 : i1 to i32
      %sign3A_484 = arith.subi %sign3A_480, %sign3A_483 : i32
      %sign3A_485 = arith.constant 0 : i32
      %sign3A_486 = arith.cmpi sgt, %jit3A_476, %sign3A_485 : i32
      %sign3A_487 = arith.extui %sign3A_486 : i1 to i32
      %sign3A_488 = arith.constant 0 : i32
      %sign3A_489 = arith.cmpi slt, %jit3A_476, %sign3A_488 : i32
      %sign3A_490 = arith.extui %sign3A_489 : i1 to i32
      %sign3A_491 = arith.subi %sign3A_487, %sign3A_490 : i32
      %ne3A_492 = arith.cmpi ne, %sign3A_484, %sign3A_491 : i32
      %rem3A_493 = arith.remsi %add3A_450, %jit3A_476 : i32
      %ne3A_494 = arith.constant 0 : i32
      %ne3A_495 = arith.cmpi ne, %rem3A_493, %ne3A_494 : i32
      %and3A_496 = arith.andi %ne3A_492, %ne3A_495 : i1
      %sub3A_497 = arith.constant 1 : i32
      %sub3A_498 = arith.subi %div3A_477, %sub3A_497 : i32
      %select_n3A_499 = arith.select %and3A_496, %sub3A_498, %div3A_477 : i32
      %mul3A_500 = arith.constant 56 : i32
      %mul3A_501 = arith.muli %select_n3A_499, %mul3A_500 : i32
      %add3A_502 = arith.constant 24 : i32
      %add3A_503 = arith.addi %mul3A_501, %add3A_502 : i32
      %dma_wait3A_504 = tpu.memref_slice %arg5[%add3A_503] : memref<1792xi32, #tpu.memory_space<vmem>> -> memref<32xi32, #tpu.memory_space<vmem>>
      %dma_wait3A_505 = arith.constant 0 : i32
      %dma_wait3A_506 = arith.constant 0 : i32
      %dma_wait3A_507 = tpu.memref_slice %arg3[%dma_wait3A_505, %dma_wait3A_506] : memref<30522x768xf32, #tpu.memory_space<hbm>> -> memref<30522x768xf32, #tpu.memory_space<hbm>>
      tpu.wait_indirect_dma semaphore(%arg13 : memref<!tpu.dma_semaphore, #tpu.memory_space<semaphore_mem>>) src(%dma_wait3A_507 : memref<30522x768xf32, #tpu.memory_space<hbm>>) dst(%arg9 : memref<32x768xf32, #tpu.memory_space<vmem>>)
      %jit3A_508 = arith.constant 2 : i32
      %div3A_509 = arith.divsi %add3A_450, %jit3A_508 : i32
      %sign3A_510 = arith.constant 0 : i32
      %sign3A_511 = arith.cmpi sgt, %add3A_450, %sign3A_510 : i32
      %sign3A_512 = arith.extui %sign3A_511 : i1 to i32
      %sign3A_513 = arith.constant 0 : i32
      %sign3A_514 = arith.cmpi slt, %add3A_450, %sign3A_513 : i32
      %sign3A_515 = arith.extui %sign3A_514 : i1 to i32
      %sign3A_516 = arith.subi %sign3A_512, %sign3A_515 : i32
      %sign3A_517 = arith.constant 0 : i32
      %sign3A_518 = arith.cmpi sgt, %jit3A_508, %sign3A_517 : i32
      %sign3A_519 = arith.extui %sign3A_518 : i1 to i32
      %sign3A_520 = arith.constant 0 : i32
      %sign3A_521 = arith.cmpi slt, %jit3A_508, %sign3A_520 : i32
      %sign3A_522 = arith.extui %sign3A_521 : i1 to i32
      %sign3A_523 = arith.subi %sign3A_519, %sign3A_522 : i32
      %ne3A_524 = arith.cmpi ne, %sign3A_516, %sign3A_523 : i32
      %rem3A_525 = arith.remsi %add3A_450, %jit3A_508 : i32
      %ne3A_526 = arith.constant 0 : i32
      %ne3A_527 = arith.cmpi ne, %rem3A_525, %ne3A_526 : i32
      %and3A_528 = arith.andi %ne3A_524, %ne3A_527 : i1
      %sub3A_529 = arith.constant 1 : i32
      %sub3A_530 = arith.subi %div3A_509, %sub3A_529 : i32
      %select_n3A_531 = arith.select %and3A_528, %sub3A_530, %div3A_509 : i32
      %add3A_532 = arith.addi %mul3A_2, %select_n3A_531 : i32
      %jit3A_533 = arith.constant 2 : i32
      %div3A_534 = arith.divsi %add3A_450, %jit3A_533 : i32
      %sign3A_535 = arith.constant 0 : i32
      %sign3A_536 = arith.cmpi sgt, %add3A_450, %sign3A_535 : i32
      %sign3A_537 = arith.extui %sign3A_536 : i1 to i32
      %sign3A_538 = arith.constant 0 : i32
      %sign3A_539 = arith.cmpi slt, %add3A_450, %sign3A_538 : i32
      %sign3A_540 = arith.extui %sign3A_539 : i1 to i32
      %sign3A_541 = arith.subi %sign3A_537, %sign3A_540 : i32
      %sign3A_542 = arith.constant 0 : i32
      %sign3A_543 = arith.cmpi sgt, %jit3A_533, %sign3A_542 : i32
      %sign3A_544 = arith.extui %sign3A_543 : i1 to i32
      %sign3A_545 = arith.constant 0 : i32
      %sign3A_546 = arith.cmpi slt, %jit3A_533, %sign3A_545 : i32
      %sign3A_547 = arith.extui %sign3A_546 : i1 to i32
      %sign3A_548 = arith.subi %sign3A_544, %sign3A_547 : i32
      %ne3A_549 = arith.cmpi ne, %sign3A_541, %sign3A_548 : i32
      %rem3A_550 = arith.remsi %add3A_450, %jit3A_533 : i32
      %ne3A_551 = arith.constant 0 : i32
      %ne3A_552 = arith.cmpi ne, %rem3A_550, %ne3A_551 : i32
      %and3A_553 = arith.andi %ne3A_549, %ne3A_552 : i1
      %sub3A_554 = arith.constant 1 : i32
      %sub3A_555 = arith.subi %div3A_534, %sub3A_554 : i32
      %select_n3A_556 = arith.select %and3A_553, %sub3A_555, %div3A_534 : i32
      %mul3A_557 = arith.constant 56 : i32
      %mul3A_558 = arith.muli %select_n3A_556, %mul3A_557 : i32
      %add3A_559 = arith.constant 24 : i32
      %add3A_560 = arith.addi %mul3A_558, %add3A_559 : i32
      %dma_start3A_561 = arith.constant 24 : i32
      %dma_start3A_562 = arith.constant 0 : i32
      %dma_start3A_563 = tpu.memref_slice %arg4[%add3A_532, %dma_start3A_561, %dma_start3A_562] : memref<1024x56x768xf32, #tpu.memory_space<hbm>> -> memref<1x32x768xf32, #tpu.memory_space<hbm>>
      %dma_start3A_564 = tpu.memref_squeeze %dma_start3A_563 : memref<1x32x768xf32, #tpu.memory_space<hbm>> -> memref<32x768xf32, #tpu.memory_space<hbm>>
      %dma_start3A_565 = arith.constant 24 : i32
      %dma_start3A_566 = arith.constant 0 : i32
      %dma_start3A_567 = tpu.memref_slice %arg4[%add3A_532, %dma_start3A_565, %dma_start3A_566] : memref<1024x56x768xf32, #tpu.memory_space<hbm>> -> memref<1x32x768xf32, #tpu.memory_space<hbm>>
      %dma_start3A_568 = tpu.memref_squeeze %dma_start3A_567 : memref<1x32x768xf32, #tpu.memory_space<hbm>> -> memref<32x768xf32, #tpu.memory_space<hbm>>
      tpu.enqueue_dma source(%arg9 : memref<32x768xf32, #tpu.memory_space<vmem>>) target(%dma_start3A_568 : memref<32x768xf32, #tpu.memory_space<hbm>>) target_semaphore(%arg17 : memref<!tpu.dma_semaphore, #tpu.memory_space<semaphore_mem>>)
      %add3A_569 = arith.constant 4 : i32
      %add3A_570 = arith.addi %add3A_450, %add3A_569 : i32
      %lt3A_571 = arith.constant 64 : i32
      %lt3A_572 = arith.cmpi slt, %add3A_570, %lt3A_571 : i32
      %convert_element_type3A_573 = arith.extui %lt3A_572 : i1 to i32
      %cond3A_574 = arith.constant 0 : i32
      %cond3A_575 = arith.cmpi ne, %convert_element_type3A_573, %cond3A_574 : i32
      scf.if %cond3A_575 {
        %jit3A_576 = arith.constant 2 : i32
        %div3A_577 = arith.divsi %add3A_450, %jit3A_576 : i32
        %sign3A_578 = arith.constant 0 : i32
        %sign3A_579 = arith.cmpi sgt, %add3A_450, %sign3A_578 : i32
        %sign3A_580 = arith.extui %sign3A_579 : i1 to i32
        %sign3A_581 = arith.constant 0 : i32
        %sign3A_582 = arith.cmpi slt, %add3A_450, %sign3A_581 : i32
        %sign3A_583 = arith.extui %sign3A_582 : i1 to i32
        %sign3A_584 = arith.subi %sign3A_580, %sign3A_583 : i32
        %sign3A_585 = arith.constant 0 : i32
        %sign3A_586 = arith.cmpi sgt, %jit3A_576, %sign3A_585 : i32
        %sign3A_587 = arith.extui %sign3A_586 : i1 to i32
        %sign3A_588 = arith.constant 0 : i32
        %sign3A_589 = arith.cmpi slt, %jit3A_576, %sign3A_588 : i32
        %sign3A_590 = arith.extui %sign3A_589 : i1 to i32
        %sign3A_591 = arith.subi %sign3A_587, %sign3A_590 : i32
        %ne3A_592 = arith.cmpi ne, %sign3A_584, %sign3A_591 : i32
        %rem3A_593 = arith.remsi %add3A_450, %jit3A_576 : i32
        %ne3A_594 = arith.constant 0 : i32
        %ne3A_595 = arith.cmpi ne, %rem3A_593, %ne3A_594 : i32
        %and3A_596 = arith.andi %ne3A_592, %ne3A_595 : i1
        %sub3A_597 = arith.constant 1 : i32
        %sub3A_598 = arith.subi %div3A_577, %sub3A_597 : i32
        %select_n3A_599 = arith.select %and3A_596, %sub3A_598, %div3A_577 : i32
        %add3A_600 = arith.addi %mul3A_2, %select_n3A_599 : i32
        %jit3A_601 = arith.constant 2 : i32
        %div3A_602 = arith.divsi %add3A_450, %jit3A_601 : i32
        %sign3A_603 = arith.constant 0 : i32
        %sign3A_604 = arith.cmpi sgt, %add3A_450, %sign3A_603 : i32
        %sign3A_605 = arith.extui %sign3A_604 : i1 to i32
        %sign3A_606 = arith.constant 0 : i32
        %sign3A_607 = arith.cmpi slt, %add3A_450, %sign3A_606 : i32
        %sign3A_608 = arith.extui %sign3A_607 : i1 to i32
        %sign3A_609 = arith.subi %sign3A_605, %sign3A_608 : i32
        %sign3A_610 = arith.constant 0 : i32
        %sign3A_611 = arith.cmpi sgt, %jit3A_601, %sign3A_610 : i32
        %sign3A_612 = arith.extui %sign3A_611 : i1 to i32
        %sign3A_613 = arith.constant 0 : i32
        %sign3A_614 = arith.cmpi slt, %jit3A_601, %sign3A_613 : i32
        %sign3A_615 = arith.extui %sign3A_614 : i1 to i32
        %sign3A_616 = arith.subi %sign3A_612, %sign3A_615 : i32
        %ne3A_617 = arith.cmpi ne, %sign3A_609, %sign3A_616 : i32
        %rem3A_618 = arith.remsi %add3A_450, %jit3A_601 : i32
        %ne3A_619 = arith.constant 0 : i32
        %ne3A_620 = arith.cmpi ne, %rem3A_618, %ne3A_619 : i32
        %and3A_621 = arith.andi %ne3A_617, %ne3A_620 : i1
        %sub3A_622 = arith.constant 1 : i32
        %sub3A_623 = arith.subi %div3A_602, %sub3A_622 : i32
        %select_n3A_624 = arith.select %and3A_621, %sub3A_623, %div3A_602 : i32
        %mul3A_625 = arith.constant 56 : i32
        %mul3A_626 = arith.muli %select_n3A_624, %mul3A_625 : i32
        %add3A_627 = arith.constant 24 : i32
        %add3A_628 = arith.addi %mul3A_626, %add3A_627 : i32
        %dma_wait3A_629 = arith.constant 24 : i32
        %dma_wait3A_630 = arith.constant 0 : i32
        %dma_wait3A_631 = tpu.memref_slice %arg4[%add3A_600, %dma_wait3A_629, %dma_wait3A_630] : memref<1024x56x768xf32, #tpu.memory_space<hbm>> -> memref<1x32x768xf32, #tpu.memory_space<hbm>>
        %dma_wait3A_632 = tpu.memref_squeeze %dma_wait3A_631 : memref<1x32x768xf32, #tpu.memory_space<hbm>> -> memref<32x768xf32, #tpu.memory_space<hbm>>
        %dma_wait3A_633 = arith.constant 24 : i32
        %dma_wait3A_634 = arith.constant 0 : i32
        %dma_wait3A_635 = tpu.memref_slice %arg4[%add3A_600, %dma_wait3A_633, %dma_wait3A_634] : memref<1024x56x768xf32, #tpu.memory_space<hbm>> -> memref<1x32x768xf32, #tpu.memory_space<hbm>>
        %dma_wait3A_636 = tpu.memref_squeeze %dma_wait3A_635 : memref<1x32x768xf32, #tpu.memory_space<hbm>> -> memref<32x768xf32, #tpu.memory_space<hbm>>
        tpu.wait_dma2 semaphore(%arg17 : memref<!tpu.dma_semaphore, #tpu.memory_space<semaphore_mem>>) src(%arg9 : memref<32x768xf32, #tpu.memory_space<vmem>>) dst(%dma_wait3A_636 : memref<32x768xf32, #tpu.memory_space<hbm>>)
        %add3A_637 = arith.constant 4 : i32
        %add3A_638 = arith.addi %add3A_450, %add3A_637 : i32
        %jit3A_639 = arith.constant 2 : i32
        %div3A_640 = arith.divsi %add3A_638, %jit3A_639 : i32
        %sign3A_641 = arith.constant 0 : i32
        %sign3A_642 = arith.cmpi sgt, %add3A_638, %sign3A_641 : i32
        %sign3A_643 = arith.extui %sign3A_642 : i1 to i32
        %sign3A_644 = arith.constant 0 : i32
        %sign3A_645 = arith.cmpi slt, %add3A_638, %sign3A_644 : i32
        %sign3A_646 = arith.extui %sign3A_645 : i1 to i32
        %sign3A_647 = arith.subi %sign3A_643, %sign3A_646 : i32
        %sign3A_648 = arith.constant 0 : i32
        %sign3A_649 = arith.cmpi sgt, %jit3A_639, %sign3A_648 : i32
        %sign3A_650 = arith.extui %sign3A_649 : i1 to i32
        %sign3A_651 = arith.constant 0 : i32
        %sign3A_652 = arith.cmpi slt, %jit3A_639, %sign3A_651 : i32
        %sign3A_653 = arith.extui %sign3A_652 : i1 to i32
        %sign3A_654 = arith.subi %sign3A_650, %sign3A_653 : i32
        %ne3A_655 = arith.cmpi ne, %sign3A_647, %sign3A_654 : i32
        %rem3A_656 = arith.remsi %add3A_638, %jit3A_639 : i32
        %ne3A_657 = arith.constant 0 : i32
        %ne3A_658 = arith.cmpi ne, %rem3A_656, %ne3A_657 : i32
        %and3A_659 = arith.andi %ne3A_655, %ne3A_658 : i1
        %sub3A_660 = arith.constant 1 : i32
        %sub3A_661 = arith.subi %div3A_640, %sub3A_660 : i32
        %select_n3A_662 = arith.select %and3A_659, %sub3A_661, %div3A_640 : i32
        %add3A_663 = arith.addi %mul3A_2, %select_n3A_662 : i32
        %jit3A_664 = arith.constant 2 : i32
        %div3A_665 = arith.divsi %add3A_638, %jit3A_664 : i32
        %sign3A_666 = arith.constant 0 : i32
        %sign3A_667 = arith.cmpi sgt, %add3A_638, %sign3A_666 : i32
        %sign3A_668 = arith.extui %sign3A_667 : i1 to i32
        %sign3A_669 = arith.constant 0 : i32
        %sign3A_670 = arith.cmpi slt, %add3A_638, %sign3A_669 : i32
        %sign3A_671 = arith.extui %sign3A_670 : i1 to i32
        %sign3A_672 = arith.subi %sign3A_668, %sign3A_671 : i32
        %sign3A_673 = arith.constant 0 : i32
        %sign3A_674 = arith.cmpi sgt, %jit3A_664, %sign3A_673 : i32
        %sign3A_675 = arith.extui %sign3A_674 : i1 to i32
        %sign3A_676 = arith.constant 0 : i32
        %sign3A_677 = arith.cmpi slt, %jit3A_664, %sign3A_676 : i32
        %sign3A_678 = arith.extui %sign3A_677 : i1 to i32
        %sign3A_679 = arith.subi %sign3A_675, %sign3A_678 : i32
        %ne3A_680 = arith.cmpi ne, %sign3A_672, %sign3A_679 : i32
        %rem3A_681 = arith.remsi %add3A_638, %jit3A_664 : i32
        %ne3A_682 = arith.constant 0 : i32
        %ne3A_683 = arith.cmpi ne, %rem3A_681, %ne3A_682 : i32
        %and3A_684 = arith.andi %ne3A_680, %ne3A_683 : i1
        %sub3A_685 = arith.constant 1 : i32
        %sub3A_686 = arith.subi %div3A_665, %sub3A_685 : i32
        %select_n3A_687 = arith.select %and3A_684, %sub3A_686, %div3A_665 : i32
        %mul3A_688 = arith.constant 56 : i32
        %mul3A_689 = arith.muli %select_n3A_687, %mul3A_688 : i32
        %add3A_690 = arith.constant 24 : i32
        %add3A_691 = arith.addi %mul3A_689, %add3A_690 : i32
        %dma_start3A_692 = tpu.memref_slice %arg5[%add3A_691] : memref<1792xi32, #tpu.memory_space<vmem>> -> memref<32xi32, #tpu.memory_space<vmem>>
        %dma_start3A_693 = arith.constant 0 : i32
        %dma_start3A_694 = arith.constant 0 : i32
        %dma_start3A_695 = tpu.memref_slice %arg3[%dma_start3A_693, %dma_start3A_694] : memref<30522x768xf32, #tpu.memory_space<hbm>> -> memref<30522x768xf32, #tpu.memory_space<hbm>>
        tpu.enqueue_indirect_dma source(%dma_start3A_695 : memref<30522x768xf32, #tpu.memory_space<hbm>>) target(%arg9 : memref<32x768xf32, #tpu.memory_space<vmem>>) offsets(%dma_start3A_692 : memref<32xi32, #tpu.memory_space<vmem>>) semaphore(%arg13 : memref<!tpu.dma_semaphore, #tpu.memory_space<semaphore_mem>>)
      } else {
      }
    }
    %scan3A_36 = arith.constant 16 : i32
    %add3A_37 = arith.constant 30 : i32
    %add3A_38 = arith.addi %mul3A_2, %add3A_37 : i32
    %dma_wait3A = arith.constant 0 : i32
    %dma_wait3A_39 = arith.constant 0 : i32
    %dma_wait3A_40 = tpu.memref_slice %arg4[%add3A_38, %dma_wait3A, %dma_wait3A_39] : memref<1024x56x768xf32, #tpu.memory_space<hbm>> -> memref<1x24x768xf32, #tpu.memory_space<hbm>>
    %dma_wait3A_41 = tpu.memref_squeeze %dma_wait3A_40 : memref<1x24x768xf32, #tpu.memory_space<hbm>> -> memref<24x768xf32, #tpu.memory_space<hbm>>
    %dma_wait3A_42 = arith.constant 0 : i32
    %dma_wait3A_43 = arith.constant 0 : i32
    %dma_wait3A_44 = tpu.memref_slice %arg4[%add3A_38, %dma_wait3A_42, %dma_wait3A_43] : memref<1024x56x768xf32, #tpu.memory_space<hbm>> -> memref<1x24x768xf32, #tpu.memory_space<hbm>>
    %dma_wait3A_45 = tpu.memref_squeeze %dma_wait3A_44 : memref<1x24x768xf32, #tpu.memory_space<hbm>> -> memref<24x768xf32, #tpu.memory_space<hbm>>
    tpu.wait_dma2 semaphore(%arg14 : memref<!tpu.dma_semaphore, #tpu.memory_space<semaphore_mem>>) src(%arg6 : memref<24x768xf32, #tpu.memory_space<vmem>>) dst(%dma_wait3A_45 : memref<24x768xf32, #tpu.memory_space<hbm>>)
    %add3A_46 = arith.constant 30 : i32
    %add3A_47 = arith.addi %mul3A_2, %add3A_46 : i32
    %dma_wait3A_48 = arith.constant 24 : i32
    %dma_wait3A_49 = arith.constant 0 : i32
    %dma_wait3A_50 = tpu.memref_slice %arg4[%add3A_47, %dma_wait3A_48, %dma_wait3A_49] : memref<1024x56x768xf32, #tpu.memory_space<hbm>> -> memref<1x32x768xf32, #tpu.memory_space<hbm>>
    %dma_wait3A_51 = tpu.memref_squeeze %dma_wait3A_50 : memref<1x32x768xf32, #tpu.memory_space<hbm>> -> memref<32x768xf32, #tpu.memory_space<hbm>>
    %dma_wait3A_52 = arith.constant 24 : i32
    %dma_wait3A_53 = arith.constant 0 : i32
    %dma_wait3A_54 = tpu.memref_slice %arg4[%add3A_47, %dma_wait3A_52, %dma_wait3A_53] : memref<1024x56x768xf32, #tpu.memory_space<hbm>> -> memref<1x32x768xf32, #tpu.memory_space<hbm>>
    %dma_wait3A_55 = tpu.memref_squeeze %dma_wait3A_54 : memref<1x32x768xf32, #tpu.memory_space<hbm>> -> memref<32x768xf32, #tpu.memory_space<hbm>>
    tpu.wait_dma2 semaphore(%arg15 : memref<!tpu.dma_semaphore, #tpu.memory_space<semaphore_mem>>) src(%arg7 : memref<32x768xf32, #tpu.memory_space<vmem>>) dst(%dma_wait3A_55 : memref<32x768xf32, #tpu.memory_space<hbm>>)
    %add3A_56 = arith.constant 31 : i32
    %add3A_57 = arith.addi %mul3A_2, %add3A_56 : i32
    %dma_wait3A_58 = arith.constant 0 : i32
    %dma_wait3A_59 = arith.constant 0 : i32
    %dma_wait3A_60 = tpu.memref_slice %arg4[%add3A_57, %dma_wait3A_58, %dma_wait3A_59] : memref<1024x56x768xf32, #tpu.memory_space<hbm>> -> memref<1x24x768xf32, #tpu.memory_space<hbm>>
    %dma_wait3A_61 = tpu.memref_squeeze %dma_wait3A_60 : memref<1x24x768xf32, #tpu.memory_space<hbm>> -> memref<24x768xf32, #tpu.memory_space<hbm>>
    %dma_wait3A_62 = arith.constant 0 : i32
    %dma_wait3A_63 = arith.constant 0 : i32
    %dma_wait3A_64 = tpu.memref_slice %arg4[%add3A_57, %dma_wait3A_62, %dma_wait3A_63] : memref<1024x56x768xf32, #tpu.memory_space<hbm>> -> memref<1x24x768xf32, #tpu.memory_space<hbm>>
    %dma_wait3A_65 = tpu.memref_squeeze %dma_wait3A_64 : memref<1x24x768xf32, #tpu.memory_space<hbm>> -> memref<24x768xf32, #tpu.memory_space<hbm>>
    tpu.wait_dma2 semaphore(%arg16 : memref<!tpu.dma_semaphore, #tpu.memory_space<semaphore_mem>>) src(%arg8 : memref<24x768xf32, #tpu.memory_space<vmem>>) dst(%dma_wait3A_65 : memref<24x768xf32, #tpu.memory_space<hbm>>)
    %add3A_66 = arith.constant 31 : i32
    %add3A_67 = arith.addi %mul3A_2, %add3A_66 : i32
    %dma_wait3A_68 = arith.constant 24 : i32
    %dma_wait3A_69 = arith.constant 0 : i32
    %dma_wait3A_70 = tpu.memref_slice %arg4[%add3A_67, %dma_wait3A_68, %dma_wait3A_69] : memref<1024x56x768xf32, #tpu.memory_space<hbm>> -> memref<1x32x768xf32, #tpu.memory_space<hbm>>
    %dma_wait3A_71 = tpu.memref_squeeze %dma_wait3A_70 : memref<1x32x768xf32, #tpu.memory_space<hbm>> -> memref<32x768xf32, #tpu.memory_space<hbm>>
    %dma_wait3A_72 = arith.constant 24 : i32
    %dma_wait3A_73 = arith.constant 0 : i32
    %dma_wait3A_74 = tpu.memref_slice %arg4[%add3A_67, %dma_wait3A_72, %dma_wait3A_73] : memref<1024x56x768xf32, #tpu.memory_space<hbm>> -> memref<1x32x768xf32, #tpu.memory_space<hbm>>
    %dma_wait3A_75 = tpu.memref_squeeze %dma_wait3A_74 : memref<1x32x768xf32, #tpu.memory_space<hbm>> -> memref<32x768xf32, #tpu.memory_space<hbm>>
    tpu.wait_dma2 semaphore(%arg17 : memref<!tpu.dma_semaphore, #tpu.memory_space<semaphore_mem>>) src(%arg9 : memref<32x768xf32, #tpu.memory_space<vmem>>) dst(%dma_wait3A_75 : memref<32x768xf32, #tpu.memory_space<hbm>>)
    return
  }
}

module attributes {stable_mosaic.version = 14 : i64} {
  func.func @_tc_img_body(%arg0: i32, %arg1: memref<16x36x2048xf32, #tpu.memory_space<vmem>>, %arg2: memref<16x36x5xf32, #tpu.memory_space<vmem>>, %arg3: memref<2048x768xbf16, #tpu.memory_space<vmem>>, %arg4: memref<5x768xf32, #tpu.memory_space<vmem>>, %arg5: memref<2x768xf32, #tpu.memory_space<vmem>>, %arg6: memref<1x768xf32, #tpu.memory_space<vmem>>, %arg7: memref<1x768xf32, #tpu.memory_space<vmem>>, %arg8: memref<1x768xf32, #tpu.memory_space<vmem>>, %arg9: memref<1x768xf32, #tpu.memory_space<vmem>>, %arg10: memref<1x768xf32, #tpu.memory_space<vmem>>, %arg11: memref<1x768xf32, #tpu.memory_space<vmem>>, %arg12: memref<1x768xf32, #tpu.memory_space<vmem>>, %arg13: memref<1x768xf32, #tpu.memory_space<vmem>>, %arg14: memref<16x36x768xf32, #tpu.memory_space<vmem>>) attributes {dimension_semantics = [#tpu.dimension_semantics<parallel>], iteration_bounds = array<i64: 64>, scalar_prefetch = 0 : i64, scratch_operands = 0 : i64, tpu.core_type = #tpu.core_type<tc>, window_params = [{transform_indices = @transform_0, window_bounds = array<i64: 16, 36, 2048>}, {transform_indices = @transform_1, window_bounds = array<i64: 16, 36, 5>}, {pipeline_mode = #tpu.pipeline_mode<synchronous>, transform_indices = @transform_2, window_bounds = array<i64: 2048, 768>}, {pipeline_mode = #tpu.pipeline_mode<synchronous>, transform_indices = @transform_3, window_bounds = array<i64: 5, 768>}, {pipeline_mode = #tpu.pipeline_mode<synchronous>, transform_indices = @transform_4, window_bounds = array<i64: 2, 768>}, {pipeline_mode = #tpu.pipeline_mode<synchronous>, transform_indices = @transform_5, window_bounds = array<i64: 1, 768>}, {pipeline_mode = #tpu.pipeline_mode<synchronous>, transform_indices = @transform_6, window_bounds = array<i64: 1, 768>}, {pipeline_mode = #tpu.pipeline_mode<synchronous>, transform_indices = @transform_7, window_bounds = array<i64: 1, 768>}, {pipeline_mode = #tpu.pipeline_mode<synchronous>, transform_indices = @transform_8, window_bounds = array<i64: 1, 768>}, {pipeline_mode = #tpu.pipeline_mode<synchronous>, transform_indices = @transform_9, window_bounds = array<i64: 1, 768>}, {pipeline_mode = #tpu.pipeline_mode<synchronous>, transform_indices = @transform_10, window_bounds = array<i64: 1, 768>}, {pipeline_mode = #tpu.pipeline_mode<synchronous>, transform_indices = @transform_11, window_bounds = array<i64: 1, 768>}, {pipeline_mode = #tpu.pipeline_mode<synchronous>, transform_indices = @transform_12, window_bounds = array<i64: 1, 768>}, {transform_indices = @transform_13, window_bounds = array<i64: 16, 36, 768>}]} {
    %get3A = arith.constant 0 : index
    %get3A_0 = arith.constant 0 : index
    %get3A_1 = vector.load %arg3[%get3A, %get3A_0] : memref<2048x768xbf16, #tpu.memory_space<vmem>>, vector<2048x768xbf16>
    %get3A_2 = arith.constant 0 : index
    %get3A_3 = arith.constant 0 : index
    %get3A_4 = vector.load %arg4[%get3A_2, %get3A_3] : memref<5x768xf32, #tpu.memory_space<vmem>>, vector<5x768xf32>
    %get3A_5 = arith.constant 1 : index
    %get3A_6 = arith.constant 0 : index
    %get3A_7 = vector.load %arg5[%get3A_5, %get3A_6] : memref<2x768xf32, #tpu.memory_space<vmem>>, vector<1x768xf32>
    %get3A_8 = arith.constant 0 : index
    %get3A_9 = arith.constant 0 : index
    %get3A_10 = arith.constant 0 : index
    %get3A_11 = vector.load %arg1[%get3A_8, %get3A_9, %get3A_10] : memref<16x36x2048xf32, #tpu.memory_space<vmem>>, vector<16x36x2048xf32>
    %reshape3A = vector.shape_cast %get3A_11 : vector<16x36x2048xf32> to vector<576x2048xf32>
    %convert_element_type3A = arith.truncf %reshape3A : vector<576x2048xf32> to vector<576x2048xbf16>
    %dot_general3A = arith.constant dense<0.000000e+00> : vector<576x768xf32>
    %dot_general3A_12 = tpu.matmul %convert_element_type3A, %get3A_1, %dot_general3A {dimension_numbers = #tpu.dot_dimension_numbers<[1], [0], [0], [1], [0, 0, 1, 1], [], []>, transpose_lhs_hint = false} : vector<576x2048xbf16>, vector<2048x768xbf16>, vector<576x768xf32> -> vector<576x768xf32>
    %get3A_13 = arith.constant 0 : index
    %get3A_14 = arith.constant 0 : index
    %get3A_15 = vector.load %arg6[%get3A_13, %get3A_14] : memref<1x768xf32, #tpu.memory_space<vmem>>, vector<1x768xf32>
    %add3A = vector.broadcast %get3A_15 : vector<1x768xf32> to vector<576x768xf32>
    %add3A_16 = arith.addf %dot_general3A_12, %add3A : vector<576x768xf32>
    %get3A_17 = arith.constant 0 : index
    %get3A_18 = arith.constant 0 : index
    %get3A_19 = vector.load %arg8[%get3A_17, %get3A_18] : memref<1x768xf32, #tpu.memory_space<vmem>>, vector<1x768xf32>
    %get3A_20 = arith.constant 0 : index
    %get3A_21 = arith.constant 0 : index
    %get3A_22 = vector.load %arg9[%get3A_20, %get3A_21] : memref<1x768xf32, #tpu.memory_space<vmem>>, vector<1x768xf32>
    %reduce_sum3A = arith.constant dense<0.000000e+00> : vector<576xf32>
    %reduce_sum3A_23 = vector.multi_reduction <add>, %add3A_16, %reduce_sum3A [1] : vector<576x768xf32> to vector<576xf32>
    %broadcast_in_dim3A = vector.shape_cast %reduce_sum3A_23 : vector<576xf32> to vector<576x1xf32>
    %div3A = arith.constant 7.680000e+02 : f32
    %div3A_24 = vector.broadcast %div3A : f32 to vector<576x1xf32>
    %div3A_25 = arith.divf %broadcast_in_dim3A, %div3A_24 : vector<576x1xf32>
    %sub3A = vector.broadcast %div3A_25 : vector<576x1xf32> to vector<576x768xf32>
    %sub3A_26 = arith.subf %add3A_16, %sub3A : vector<576x768xf32>
    %mul3A = arith.mulf %sub3A_26, %sub3A_26 : vector<576x768xf32>
    %reduce_sum3A_27 = arith.constant dense<0.000000e+00> : vector<576xf32>
    %reduce_sum3A_28 = vector.multi_reduction <add>, %mul3A, %reduce_sum3A_27 [1] : vector<576x768xf32> to vector<576xf32>
    %broadcast_in_dim3A_29 = vector.shape_cast %reduce_sum3A_28 : vector<576xf32> to vector<576x1xf32>
    %div3A_30 = arith.constant 7.680000e+02 : f32
    %div3A_31 = vector.broadcast %div3A_30 : f32 to vector<576x1xf32>
    %div3A_32 = arith.divf %broadcast_in_dim3A_29, %div3A_31 : vector<576x1xf32>
    %add3A_33 = arith.constant 9.99999996E-13 : f32
    %add3A_34 = vector.broadcast %add3A_33 : f32 to vector<576x1xf32>
    %add3A_35 = arith.addf %div3A_32, %add3A_34 : vector<576x1xf32>
    %rsqrt3A = math.rsqrt %add3A_35 : vector<576x1xf32>
    %mul3A_36 = vector.broadcast %rsqrt3A : vector<576x1xf32> to vector<576x768xf32>
    %mul3A_37 = arith.mulf %sub3A_26, %mul3A_36 : vector<576x768xf32>
    %mul3A_38 = vector.broadcast %get3A_19 : vector<1x768xf32> to vector<576x768xf32>
    %mul3A_39 = arith.mulf %mul3A_37, %mul3A_38 : vector<576x768xf32>
    %add3A_40 = vector.broadcast %get3A_22 : vector<1x768xf32> to vector<576x768xf32>
    %add3A_41 = arith.addf %mul3A_39, %add3A_40 : vector<576x768xf32>
    %get3A_42 = arith.constant 0 : index
    %get3A_43 = arith.constant 0 : index
    %get3A_44 = arith.constant 0 : index
    %get3A_45 = vector.load %arg2[%get3A_42, %get3A_43, %get3A_44] : memref<16x36x5xf32, #tpu.memory_space<vmem>>, vector<16x36x5xf32>
    %reshape3A_46 = vector.shape_cast %get3A_45 : vector<16x36x5xf32> to vector<576x5xf32>
    %dot_general3A_47 = arith.constant dense<0.000000e+00> : vector<576x768xf32>
    %dot_general3A_48 = tpu.matmul %reshape3A_46, %get3A_4, %dot_general3A_47 {dimension_numbers = #tpu.dot_dimension_numbers<[1], [0], [0], [1], [0, 0, 1, 1], [], []>, transpose_lhs_hint = false} : vector<576x5xf32>, vector<5x768xf32>, vector<576x768xf32> -> vector<576x768xf32>
    %get3A_49 = arith.constant 0 : index
    %get3A_50 = arith.constant 0 : index
    %get3A_51 = vector.load %arg7[%get3A_49, %get3A_50] : memref<1x768xf32, #tpu.memory_space<vmem>>, vector<1x768xf32>
    %add3A_52 = vector.broadcast %get3A_51 : vector<1x768xf32> to vector<576x768xf32>
    %add3A_53 = arith.addf %dot_general3A_48, %add3A_52 : vector<576x768xf32>
    %get3A_54 = arith.constant 0 : index
    %get3A_55 = arith.constant 0 : index
    %get3A_56 = vector.load %arg10[%get3A_54, %get3A_55] : memref<1x768xf32, #tpu.memory_space<vmem>>, vector<1x768xf32>
    %get3A_57 = arith.constant 0 : index
    %get3A_58 = arith.constant 0 : index
    %get3A_59 = vector.load %arg11[%get3A_57, %get3A_58] : memref<1x768xf32, #tpu.memory_space<vmem>>, vector<1x768xf32>
    %reduce_sum3A_60 = arith.constant dense<0.000000e+00> : vector<576xf32>
    %reduce_sum3A_61 = vector.multi_reduction <add>, %add3A_53, %reduce_sum3A_60 [1] : vector<576x768xf32> to vector<576xf32>
    %broadcast_in_dim3A_62 = vector.shape_cast %reduce_sum3A_61 : vector<576xf32> to vector<576x1xf32>
    %div3A_63 = arith.constant 7.680000e+02 : f32
    %div3A_64 = vector.broadcast %div3A_63 : f32 to vector<576x1xf32>
    %div3A_65 = arith.divf %broadcast_in_dim3A_62, %div3A_64 : vector<576x1xf32>
    %sub3A_66 = vector.broadcast %div3A_65 : vector<576x1xf32> to vector<576x768xf32>
    %sub3A_67 = arith.subf %add3A_53, %sub3A_66 : vector<576x768xf32>
    %mul3A_68 = arith.mulf %sub3A_67, %sub3A_67 : vector<576x768xf32>
    %reduce_sum3A_69 = arith.constant dense<0.000000e+00> : vector<576xf32>
    %reduce_sum3A_70 = vector.multi_reduction <add>, %mul3A_68, %reduce_sum3A_69 [1] : vector<576x768xf32> to vector<576xf32>
    %broadcast_in_dim3A_71 = vector.shape_cast %reduce_sum3A_70 : vector<576xf32> to vector<576x1xf32>
    %div3A_72 = arith.constant 7.680000e+02 : f32
    %div3A_73 = vector.broadcast %div3A_72 : f32 to vector<576x1xf32>
    %div3A_74 = arith.divf %broadcast_in_dim3A_71, %div3A_73 : vector<576x1xf32>
    %add3A_75 = arith.constant 9.99999996E-13 : f32
    %add3A_76 = vector.broadcast %add3A_75 : f32 to vector<576x1xf32>
    %add3A_77 = arith.addf %div3A_74, %add3A_76 : vector<576x1xf32>
    %rsqrt3A_78 = math.rsqrt %add3A_77 : vector<576x1xf32>
    %mul3A_79 = vector.broadcast %rsqrt3A_78 : vector<576x1xf32> to vector<576x768xf32>
    %mul3A_80 = arith.mulf %sub3A_67, %mul3A_79 : vector<576x768xf32>
    %mul3A_81 = vector.broadcast %get3A_56 : vector<1x768xf32> to vector<576x768xf32>
    %mul3A_82 = arith.mulf %mul3A_80, %mul3A_81 : vector<576x768xf32>
    %add3A_83 = vector.broadcast %get3A_59 : vector<1x768xf32> to vector<576x768xf32>
    %add3A_84 = arith.addf %mul3A_82, %add3A_83 : vector<576x768xf32>
    %add3A_85 = arith.addf %add3A_41, %add3A_84 : vector<576x768xf32>
    %add3A_86 = vector.broadcast %get3A_7 : vector<1x768xf32> to vector<576x768xf32>
    %add3A_87 = arith.addf %add3A_85, %add3A_86 : vector<576x768xf32>
    %get3A_88 = arith.constant 0 : index
    %get3A_89 = arith.constant 0 : index
    %get3A_90 = vector.load %arg12[%get3A_88, %get3A_89] : memref<1x768xf32, #tpu.memory_space<vmem>>, vector<1x768xf32>
    %get3A_91 = arith.constant 0 : index
    %get3A_92 = arith.constant 0 : index
    %get3A_93 = vector.load %arg13[%get3A_91, %get3A_92] : memref<1x768xf32, #tpu.memory_space<vmem>>, vector<1x768xf32>
    %reduce_sum3A_94 = arith.constant dense<0.000000e+00> : vector<576xf32>
    %reduce_sum3A_95 = vector.multi_reduction <add>, %add3A_87, %reduce_sum3A_94 [1] : vector<576x768xf32> to vector<576xf32>
    %broadcast_in_dim3A_96 = vector.shape_cast %reduce_sum3A_95 : vector<576xf32> to vector<576x1xf32>
    %div3A_97 = arith.constant 7.680000e+02 : f32
    %div3A_98 = vector.broadcast %div3A_97 : f32 to vector<576x1xf32>
    %div3A_99 = arith.divf %broadcast_in_dim3A_96, %div3A_98 : vector<576x1xf32>
    %sub3A_100 = vector.broadcast %div3A_99 : vector<576x1xf32> to vector<576x768xf32>
    %sub3A_101 = arith.subf %add3A_87, %sub3A_100 : vector<576x768xf32>
    %mul3A_102 = arith.mulf %sub3A_101, %sub3A_101 : vector<576x768xf32>
    %reduce_sum3A_103 = arith.constant dense<0.000000e+00> : vector<576xf32>
    %reduce_sum3A_104 = vector.multi_reduction <add>, %mul3A_102, %reduce_sum3A_103 [1] : vector<576x768xf32> to vector<576xf32>
    %broadcast_in_dim3A_105 = vector.shape_cast %reduce_sum3A_104 : vector<576xf32> to vector<576x1xf32>
    %div3A_106 = arith.constant 7.680000e+02 : f32
    %div3A_107 = vector.broadcast %div3A_106 : f32 to vector<576x1xf32>
    %div3A_108 = arith.divf %broadcast_in_dim3A_105, %div3A_107 : vector<576x1xf32>
    %add3A_109 = arith.constant 9.99999996E-13 : f32
    %add3A_110 = vector.broadcast %add3A_109 : f32 to vector<576x1xf32>
    %add3A_111 = arith.addf %div3A_108, %add3A_110 : vector<576x1xf32>
    %rsqrt3A_112 = math.rsqrt %add3A_111 : vector<576x1xf32>
    %mul3A_113 = vector.broadcast %rsqrt3A_112 : vector<576x1xf32> to vector<576x768xf32>
    %mul3A_114 = arith.mulf %sub3A_101, %mul3A_113 : vector<576x768xf32>
    %mul3A_115 = vector.broadcast %get3A_90 : vector<1x768xf32> to vector<576x768xf32>
    %mul3A_116 = arith.mulf %mul3A_114, %mul3A_115 : vector<576x768xf32>
    %add3A_117 = vector.broadcast %get3A_93 : vector<1x768xf32> to vector<576x768xf32>
    %add3A_118 = arith.addf %mul3A_116, %add3A_117 : vector<576x768xf32>
    %reshape3A_119 = vector.shape_cast %add3A_118 : vector<576x768xf32> to vector<16x36x768xf32>
    %swap3A = arith.constant 0 : index
    %swap3A_120 = arith.constant 0 : index
    %swap3A_121 = arith.constant 0 : index
    %swap3A_122 = vector.load %arg14[%swap3A, %swap3A_120, %swap3A_121] : memref<16x36x768xf32, #tpu.memory_space<vmem>>, vector<16x36x768xf32>
    tpu.vector_store %arg14[%swap3A, %swap3A_120, %swap3A_121], %reshape3A_119 {strides = array<i32>} : memref<16x36x768xf32, #tpu.memory_space<vmem>>, vector<16x36x768xf32>,
    return
  }
  func.func @transform_0(%arg0: i32) -> (i32, i32, i32) {
    %c0_i32 = arith.constant 0 : i32
    %c0_i32_0 = arith.constant 0 : i32
    %c0_i32_1 = arith.constant 0 : i32
    return %arg0, %c0_i32, %c0_i32_0 : i32, i32, i32
  }
  func.func @transform_1(%arg0: i32) -> (i32, i32, i32) {
    %c0_i32 = arith.constant 0 : i32
    %c0_i32_0 = arith.constant 0 : i32
    %c0_i32_1 = arith.constant 0 : i32
    return %arg0, %c0_i32, %c0_i32_0 : i32, i32, i32
  }
  func.func @transform_2(%arg0: i32) -> (i32, i32) {
    %c0_i32 = arith.constant 0 : i32
    %c0_i32_0 = arith.constant 0 : i32
    %c0_i32_1 = arith.constant 0 : i32
    return %c0_i32, %c0_i32_0 : i32, i32
  }
  func.func @transform_3(%arg0: i32) -> (i32, i32) {
    %c0_i32 = arith.constant 0 : i32
    %c0_i32_0 = arith.constant 0 : i32
    %c0_i32_1 = arith.constant 0 : i32
    return %c0_i32, %c0_i32_0 : i32, i32
  }
  func.func @transform_4(%arg0: i32) -> (i32, i32) {
    %c0_i32 = arith.constant 0 : i32
    %c0_i32_0 = arith.constant 0 : i32
    %c0_i32_1 = arith.constant 0 : i32
    return %c0_i32, %c0_i32_0 : i32, i32
  }
  func.func @transform_5(%arg0: i32) -> (i32, i32) {
    %c0_i32 = arith.constant 0 : i32
    %c0_i32_0 = arith.constant 0 : i32
    %c0_i32_1 = arith.constant 0 : i32
    return %c0_i32, %c0_i32_0 : i32, i32
  }
  func.func @transform_6(%arg0: i32) -> (i32, i32) {
    %c0_i32 = arith.constant 0 : i32
    %c0_i32_0 = arith.constant 0 : i32
    %c0_i32_1 = arith.constant 0 : i32
    return %c0_i32, %c0_i32_0 : i32, i32
  }
  func.func @transform_7(%arg0: i32) -> (i32, i32) {
    %c0_i32 = arith.constant 0 : i32
    %c0_i32_0 = arith.constant 0 : i32
    %c0_i32_1 = arith.constant 0 : i32
    return %c0_i32, %c0_i32_0 : i32, i32
  }
  func.func @transform_8(%arg0: i32) -> (i32, i32) {
    %c0_i32 = arith.constant 0 : i32
    %c0_i32_0 = arith.constant 0 : i32
    %c0_i32_1 = arith.constant 0 : i32
    return %c0_i32, %c0_i32_0 : i32, i32
  }
  func.func @transform_9(%arg0: i32) -> (i32, i32) {
    %c0_i32 = arith.constant 0 : i32
    %c0_i32_0 = arith.constant 0 : i32
    %c0_i32_1 = arith.constant 0 : i32
    return %c0_i32, %c0_i32_0 : i32, i32
  }
  func.func @transform_10(%arg0: i32) -> (i32, i32) {
    %c0_i32 = arith.constant 0 : i32
    %c0_i32_0 = arith.constant 0 : i32
    %c0_i32_1 = arith.constant 0 : i32
    return %c0_i32, %c0_i32_0 : i32, i32
  }
  func.func @transform_11(%arg0: i32) -> (i32, i32) {
    %c0_i32 = arith.constant 0 : i32
    %c0_i32_0 = arith.constant 0 : i32
    %c0_i32_1 = arith.constant 0 : i32
    return %c0_i32, %c0_i32_0 : i32, i32
  }
  func.func @transform_12(%arg0: i32) -> (i32, i32) {
    %c0_i32 = arith.constant 0 : i32
    %c0_i32_0 = arith.constant 0 : i32
    %c0_i32_1 = arith.constant 0 : i32
    return %c0_i32, %c0_i32_0 : i32, i32
  }
  func.func @transform_13(%arg0: i32) -> (i32, i32, i32) {
    %c0_i32 = arith.constant 0 : i32
    %c0_i32_0 = arith.constant 0 : i32
    %c0_i32_1 = arith.constant 0 : i32
    return %arg0, %c0_i32, %c0_i32_0 : i32, i32, i32
  }
}

module attributes {stable_mosaic.version = 14 : i64} {
  func.func @_tc_text_body(%arg0: i32, %arg1: memref<16x56x768xf32, #tpu.memory_space<vmem>>, %arg2: memref<1x50x768xf32, #tpu.memory_space<vmem>>, %arg3: memref<1x1x768xf32, #tpu.memory_space<vmem>>, %arg4: memref<1x1x768xf32, #tpu.memory_space<vmem>>, %arg5: memref<16x50x768xf32, #tpu.memory_space<vmem>>) attributes {dimension_semantics = [#tpu.dimension_semantics<parallel>], iteration_bounds = array<i64: 64>, scalar_prefetch = 0 : i64, scratch_operands = 0 : i64, tpu.core_type = #tpu.core_type<tc>, window_params = [{transform_indices = @transform_0, window_bounds = array<i64: 16, 56, 768>}, {pipeline_mode = #tpu.pipeline_mode<synchronous>, transform_indices = @transform_1, window_bounds = array<i64: 1, 50, 768>}, {pipeline_mode = #tpu.pipeline_mode<synchronous>, transform_indices = @transform_2, window_bounds = array<i64: 1, 1, 768>}, {pipeline_mode = #tpu.pipeline_mode<synchronous>, transform_indices = @transform_3, window_bounds = array<i64: 1, 1, 768>}, {transform_indices = @transform_4, window_bounds = array<i64: 16, 50, 768>}]} {
    %get3A = arith.constant 0 : index
    %get3A_0 = arith.constant 0 : index
    %get3A_1 = arith.constant 0 : index
    %get3A_2 = vector.load %arg1[%get3A, %get3A_0, %get3A_1] : memref<16x56x768xf32, #tpu.memory_space<vmem>>, vector<16x56x768xf32>
    %slice3A = vector.extract_strided_slice %get3A_2 {offsets = [0, 0, 0], sizes = [16, 50, 768], strides = [1, 1, 1]} : vector<16x56x768xf32> to vector<16x50x768xf32>
    %get3A_3 = arith.constant 0 : index
    %get3A_4 = arith.constant 0 : index
    %get3A_5 = arith.constant 0 : index
    %get3A_6 = vector.load %arg2[%get3A_3, %get3A_4, %get3A_5] : memref<1x50x768xf32, #tpu.memory_space<vmem>>, vector<1x50x768xf32>
    %add3A = vector.broadcast %get3A_6 : vector<1x50x768xf32> to vector<16x50x768xf32>
    %add3A_7 = arith.addf %slice3A, %add3A : vector<16x50x768xf32>
    %get3A_8 = arith.constant 0 : index
    %get3A_9 = arith.constant 0 : index
    %get3A_10 = arith.constant 0 : index
    %get3A_11 = vector.load %arg3[%get3A_8, %get3A_9, %get3A_10] : memref<1x1x768xf32, #tpu.memory_space<vmem>>, vector<1x1x768xf32>
    %get3A_12 = arith.constant 0 : index
    %get3A_13 = arith.constant 0 : index
    %get3A_14 = arith.constant 0 : index
    %get3A_15 = vector.load %arg4[%get3A_12, %get3A_13, %get3A_14] : memref<1x1x768xf32, #tpu.memory_space<vmem>>, vector<1x1x768xf32>
    %reduce_sum3A = arith.constant dense<0.000000e+00> : vector<16x50xf32>
    %reduce_sum3A_16 = vector.multi_reduction <add>, %add3A_7, %reduce_sum3A [2] : vector<16x50x768xf32> to vector<16x50xf32>
    %broadcast_in_dim3A = vector.shape_cast %reduce_sum3A_16 : vector<16x50xf32> to vector<16x50x1xf32>
    %div3A = arith.constant 7.680000e+02 : f32
    %div3A_17 = vector.broadcast %div3A : f32 to vector<16x50x1xf32>
    %div3A_18 = arith.divf %broadcast_in_dim3A, %div3A_17 : vector<16x50x1xf32>
    %sub3A = vector.broadcast %div3A_18 : vector<16x50x1xf32> to vector<16x50x768xf32>
    %sub3A_19 = arith.subf %add3A_7, %sub3A : vector<16x50x768xf32>
    %mul3A = arith.mulf %sub3A_19, %sub3A_19 : vector<16x50x768xf32>
    %reduce_sum3A_20 = arith.constant dense<0.000000e+00> : vector<16x50xf32>
    %reduce_sum3A_21 = vector.multi_reduction <add>, %mul3A, %reduce_sum3A_20 [2] : vector<16x50x768xf32> to vector<16x50xf32>
    %broadcast_in_dim3A_22 = vector.shape_cast %reduce_sum3A_21 : vector<16x50xf32> to vector<16x50x1xf32>
    %div3A_23 = arith.constant 7.680000e+02 : f32
    %div3A_24 = vector.broadcast %div3A_23 : f32 to vector<16x50x1xf32>
    %div3A_25 = arith.divf %broadcast_in_dim3A_22, %div3A_24 : vector<16x50x1xf32>
    %add3A_26 = arith.constant 9.99999996E-13 : f32
    %add3A_27 = vector.broadcast %add3A_26 : f32 to vector<16x50x1xf32>
    %add3A_28 = arith.addf %div3A_25, %add3A_27 : vector<16x50x1xf32>
    %rsqrt3A = math.rsqrt %add3A_28 : vector<16x50x1xf32>
    %mul3A_29 = vector.broadcast %rsqrt3A : vector<16x50x1xf32> to vector<16x50x768xf32>
    %mul3A_30 = arith.mulf %sub3A_19, %mul3A_29 : vector<16x50x768xf32>
    %mul3A_31 = vector.broadcast %get3A_11 : vector<1x1x768xf32> to vector<16x50x768xf32>
    %mul3A_32 = arith.mulf %mul3A_30, %mul3A_31 : vector<16x50x768xf32>
    %add3A_33 = vector.broadcast %get3A_15 : vector<1x1x768xf32> to vector<16x50x768xf32>
    %add3A_34 = arith.addf %mul3A_32, %add3A_33 : vector<16x50x768xf32>
    %swap3A = arith.constant 0 : index
    %swap3A_35 = arith.constant 0 : index
    %swap3A_36 = arith.constant 0 : index
    %swap3A_37 = vector.load %arg5[%swap3A, %swap3A_35, %swap3A_36] : memref<16x50x768xf32, #tpu.memory_space<vmem>>, vector<16x50x768xf32>
    tpu.vector_store %arg5[%swap3A, %swap3A_35, %swap3A_36], %add3A_34 {strides = array<i32>} : memref<16x50x768xf32, #tpu.memory_space<vmem>>, vector<16x50x768xf32>,
    return
  }
  func.func @transform_0(%arg0: i32) -> (i32, i32, i32) {
    %c0_i32 = arith.constant 0 : i32
    %c0_i32_0 = arith.constant 0 : i32
    %c0_i32_1 = arith.constant 0 : i32
    return %arg0, %c0_i32, %c0_i32_0 : i32, i32, i32
  }
  func.func @transform_1(%arg0: i32) -> (i32, i32, i32) {
    %c0_i32 = arith.constant 0 : i32
    %c0_i32_0 = arith.constant 0 : i32
    %c0_i32_1 = arith.constant 0 : i32
    %c0_i32_2 = arith.constant 0 : i32
    return %c0_i32, %c0_i32_0, %c0_i32_1 : i32, i32, i32
  }
  func.func @transform_2(%arg0: i32) -> (i32, i32, i32) {
    %c0_i32 = arith.constant 0 : i32
    %c0_i32_0 = arith.constant 0 : i32
    %c0_i32_1 = arith.constant 0 : i32
    %c0_i32_2 = arith.constant 0 : i32
    return %c0_i32, %c0_i32_0, %c0_i32_1 : i32, i32, i32
  }
  func.func @transform_3(%arg0: i32) -> (i32, i32, i32) {
    %c0_i32 = arith.constant 0 : i32
    %c0_i32_0 = arith.constant 0 : i32
    %c0_i32_1 = arith.constant 0 : i32
    %c0_i32_2 = arith.constant 0 : i32
    return %c0_i32, %c0_i32_0, %c0_i32_1 : i32, i32, i32
  }
  func.func @transform_4(%arg0: i32) -> (i32, i32, i32) {
    %c0_i32 = arith.constant 0 : i32
    %c0_i32_0 = arith.constant 0 : i32
    %c0_i32_1 = arith.constant 0 : i32
    return %arg0, %c0_i32, %c0_i32_0 : i32, i32, i32
  }
}

</mosaic_0001>

<sc_bundles>
// kernel: kernel.5.cloned.1.call-start
scs
__scs_entry_jumppad:
0x0: {  	(pc) =	sbr.rel $0x88, $3  }
0x1: {  	(tag) =	ssettag $0x0;
	lr =	simm.s32 $0x1  }
0x2: {  	[smem:$0x3F8F] =	sst lr;
	_ =	strace $0xD0000000  }
0x3: {  	_ = 	snop  }
0x4: {  	_ = 	snop  }
0x5: {  	_ = 	snop  }
0x6: {  	_ = 	snop  }
0x7: {  	_ = 	snop  }
__scs_overlays_trampoline_lowered:
0x8: {  	[smem:$0x3F9E] =	sst s0  }
0x9: {  	[smem:$0x3F9F] =	sst s1  }
0xa: {  	[smem:$0x3FA0] =	sst s2  }
0xb: {  	[smem:$0x3FA1] =	sst s3  }
0xc: {  	[smem:$0x3FA2] =	sst s4  }
0xd: {  	[smem:$0x3FA3] =	sst s5  }
0xe: {  	[smem:$0x3FA4] =	sst s6  }
0xf: {  	[smem:$0x3FA5] =	sst s7  }
0x10: {  	[smem:$0x3FA6] =	sst s8  }
0x11: {  	[smem:$0x3FA7] =	sst s9;
	s0 =	simm.s32 @!p0 $0x0  }
0x12: {  	s1 =	sld [smem:$0x3F8D];
	s0 =	simm.s32 @p0 $0x1  }
0x13: {  	[smem:$0x3FA8] =	sst s0;
	s0 =	simm.s32 @!p1 $0x0  }
0x14: {  	s2 =	sld [smem:$0x3F8C];
	s0 =	simm.s32 @p1 $0x1  }
0x15: {  	[smem:$0x3FA9] =	sst s0;
	s0 =	simm.s32 @!p2 $0x0  }
0x16: {  	s3 =	sld [smem:$0x3FDB];
	s0 =	simm.s32 @p2 $0x1  }
0x17: {  	s4 =	simm.s32 $0x1BF5;
	[smem:$0x3FAB] =	sst s0  }
0x18: {  	s0 =	sld [smem:$0x3F8E];
	_ =	swait.ge [sflag:s4], $0x0  }
0x19: {  	s7 =	sld [smem:$0x3F8F]  }
0x1a: {  	s8 =	sadd.s32 $0xFFFFE003, lr  }
0x1b: {  	s9 =	sadd.s32 $0xFFFFFEF7, lr;
	s5 =	simm.s32 $0xFFFFFFFF;
	p2 =	slt.u32 s8, $0xFFFFF086  }
0x1c: {  	p1 =	slt.u32 s9, $0xF7A;
	s5 =	simm.s32 @!p2 $0x0  }
0x1d: {  	s5 =	simm.s32 @p1 $0x1;
	p0 =	seq.s32 s7, s2  }
0x1e: {  	s7 =	smul.u32 @!p0 $0xF7A, s2;
	p2 =	seq.s32 @!p0 s5, $0x0  }
0x1f: {  	s9 =	smul.u32 $0xF7A, s1;
	s8 =	simm.s32 @!p0 $0x1BF5;
	p2 =	por !p2, p0  }
0x20: {  	[sflag:s8] =	ssyncset.s32 @!p0 $0xFFFFF086;
	s6 =	sadd.s32 @!p0 s3, s7;
	s7 =	simm.s32 @!p0 $0x108  }
0x21: {  	s3 =	sadd.s32 s3, s9;
	s6 =	sadd.s32 @!p0 $0x88, s6;
	s7 =	simm.s32 @p2 $0x1082  }
0x22: {  	[simem:s7], [sflag:s8] =	dma.local @!p0 [hbm:s6], $0xF7A  }
0x23: {  	s9 =	sor.u32 $0xD0000000, s2;
	s6 =	simm.s32 $0x108;
	_ =	swait.ge @!p0 [sflag:s8], $0x0  }
0x24: {  	s3 =	sadd.s32 $0x88, s3;
	s6 =	simm.s32 @!p1 $0x1082;
	[sflag:s4] =	ssyncset.s32 $0xFFFFF086  }
0x25: {  	[simem:s6], [sflag:s4] =	dma.local [hbm:s3], $0xF7A  }
0x26: {  	[smem:$0x3F8F] =	sst s1;
	(tag) =	ssettag s2;
	_ =	strace s9  }
0x27: {  	s1 =	sld [smem:$0x3F9F]  }
0x28: {  	s2 =	sld [smem:$0x3FA0]  }
0x29: {  	s4 =	sld [smem:$0x3FA2]  }
0x2a: {  	p0 =	seq.s32 s5, $0x0;
	s5 =	sld [smem:$0x3FA3]  }
0x2b: {  	s6 =	sld [smem:$0x3FA4]  }
0x2c: {  	s7 =	sld [smem:$0x3FA5]  }
0x2d: {  	s3 =	simm.s32 $0x108;
	s8 =	sld [smem:$0x3FA6]  }
0x2e: {  	s3 =	simm.s32 @!p0 $0x1082;
	s9 =	sld [smem:$0x3FA7]  }
0x2f: {  	lr =	sadd.s32 s0, s3;
	s0 =	sld [smem:$0x3F9E]  }
0x30: {  	s3 =	sld [smem:$0x3FA1]  }
0x31: {  	[smem:$0x3FAA] =	sst s10  }
0x32: {  	s10 =	sld [smem:$0x3FA8];
	_ =	sdelay $0x3  }
0x33: {  	p0 =	seq.s32 s10, $0x1;
	s10 =	sld [smem:$0x3FAA];
	_ =	sdelay $0x3  }
0x34: {  	[smem:$0x3FAA] =	sst s10  }
0x35: {  	s10 =	sld [smem:$0x3FA9];
	_ =	sdelay $0x3  }
0x36: {  	p1 =	seq.s32 s10, $0x1;
	s10 =	sld [smem:$0x3FAA];
	_ =	sdelay $0x3  }
0x37: {  	[smem:$0x3FAA] =	sst s10  }
0x38: {  	s10 =	sld [smem:$0x3FAB]  }
0x39: {  	_ = 	snop;
	(pc) =	sbr.ind lr, $3  }
0x3a: {  	_ = 	snop  }
0x3b: {  	_ = 	snop  }
0x3c: {  	p2 =	seq.s32 s10, $0x1;
	s10 =	sld [smem:$0x3FAA]  }
0x3d: {  	_ =	shalt  }
0x3e: {  	_ =	shalt  }
0x3f: {  	_ =	shalt  }
0x40: {  	_ =	shalt  }
0x41: {  	_ =	shalt  }
0x42: {  	_ =	shalt  }
0x43: {  	_ =	shalt  }
0x44: {  	_ =	shalt  }
0x45: {  	_ =	shalt  }
0x46: {  	_ =	shalt  }
0x47: {  	_ =	shalt  }
0x48: {  	_ =	shalt  }
0x49: {  	_ =	shalt  }
0x4a: {  	_ =	shalt  }
0x4b: {  	_ =	shalt  }
0x4c: {  	_ =	shalt  }
0x4d: {  	_ =	shalt  }
0x4e: {  	_ =	shalt  }
0x4f: {  	_ =	shalt  }
0x50: {  	_ =	shalt  }
0x51: {  	_ =	shalt  }
0x52: {  	_ =	shalt  }
0x53: {  	_ =	shalt  }
0x54: {  	_ =	shalt  }
0x55: {  	_ =	shalt  }
0x56: {  	_ =	shalt  }
0x57: {  	_ =	shalt  }
0x58: {  	_ =	shalt  }
0x59: {  	_ =	shalt  }
0x5a: {  	_ =	shalt  }
0x5b: {  	_ =	shalt  }
0x5c: {  	_ =	shalt  }
0x5d: {  	_ =	shalt  }
0x5e: {  	_ =	shalt  }
0x5f: {  	_ =	shalt  }
0x60: {  	_ =	shalt  }
0x61: {  	_ =	shalt  }
0x62: {  	_ =	shalt  }
0x63: {  	_ =	shalt  }
0x64: {  	_ =	shalt  }
0x65: {  	_ =	shalt  }
0x66: {  	_ =	shalt  }
0x67: {  	_ =	shalt  }
0x68: {  	_ =	shalt  }
0x69: {  	_ =	shalt  }
0x6a: {  	_ =	shalt  }
0x6b: {  	_ =	shalt  }
0x6c: {  	_ =	shalt  }
0x6d: {  	_ =	shalt  }
0x6e: {  	_ =	shalt  }
0x6f: {  	_ =	shalt  }
0x70: {  	_ =	shalt  }
0x71: {  	_ =	shalt  }
0x72: {  	_ =	shalt  }
0x73: {  	_ =	shalt  }
0x74: {  	_ =	shalt  }
0x75: {  	_ =	shalt  }
0x76: {  	_ =	shalt  }
0x77: {  	_ =	shalt  }
0x78: {  	_ =	shalt  }
0x79: {  	_ =	shalt  }
0x7a: {  	_ =	shalt  }
0x7b: {  	_ =	shalt  }
0x7c: {  	_ =	shalt  }
0x7d: {  	_ =	shalt  }
0x7e: {  	_ =	shalt  }
0x7f: {  	_ =	shalt  }
0x80: {  	_ =	shalt  }
0x81: {  	_ =	shalt  }
0x82: {  	_ =	shalt  }
0x83: {  	_ =	shalt  }
0x84: {  	_ =	shalt  }
0x85: {  	_ =	shalt  }
0x86: {  	_ =	shalt  }
0x87: {  	_ =	shalt  }
.Lfunc_end0:
.L_simem_size_0:
called_computation_lowered:
.L_overlay_start_0:
0x88: {  	s2 =	sld [smem:$0x3FD9]  }
0x89: {  	s3 =	sld [smem:$0x3FFE];
	_ =	sdelay $0x1  }
0x8a: {  	s1 =	srdreg.scid  }
0x8b: {  	s0 =	sand.u32 $0x1, s1  }
0x8c: {  	s17 =	sshll.u32 s0, $0xA;
	s2 =	sadd.s32 s3, s2  }
0x8d: {  	s2 =	sadd.s32 s2, s17  }
0x8e: {  	[smem:$0x3FB6] =	sst s2  }
0x8f: {  	_ = 	snop  }
0x90: {  	s2 =	sld [smem:$0x3FC6];
	(tm) =	ssettm $0x1  }
0x91: {  	s18 =	sld [smem:$0x3FFB];
	_ =	sdelay $0x3  }
0x92: {  	_ =	strace s18  }
0x93: {  	s3 =	sld [smem:$0x3FFC];
	_ =	sdelay $0x3  }
0x94: {  	_ =	strace s3  }
0x95: {  	s3 =	sld [smem:$0x3FFD];
	_ =	sdelay $0x3  }
0x96: {  	_ =	strace s3  }
0x97: {  	_ =	strace $0x8FFFFFFF  }
0x98: {  	s19 =	sld [smem:$0x3FDB];
	_ =	sdelay $0x1  }
0x99: {  	s4 =	simm.s32 $_scs_section_size  }
0x9a: {  	s5 =	simm.s32 $_size__tile_overlayer_lowered;
	s6 =	simm.s32 $_tile_overlayer_lowered  }
0x9b: {  	s22 =	simm.s32 $0x1BFF;
	s21 =	sshll.u32 s6, $0x1;
	s3 =	sadd.s32 s4, s19  }
0x9c: {  	s7 =	simm.s32 $0x0;
	s20 =	sshll.u32 s5, $0x1;
	s5 =	sadd.s32 s21, s3  }
0x9d: {  	[timem:s7], [sflag:s22] =	dma.local [hbm:s5], s20  }
0x9e: {  	_ =	swait.ge [sflag:s22], s20  }
0x9f: {  	s4 =	ssub.s32 $0x0, s20;
	[sflag:s22] =	ssyncset.done $0x0  }
0xa0: {  	[sflag:s22] =	ssyncadd.s32 s4;
	_ =	sdelay $0x1  }
0xa1: {  	s23 =	simm.s32 $0x1B8B  }
0xa2: {  	_ =	swait.ge [sflag:s23], $0x1  }
0xa3: {  	[sflag:s23] =	ssyncset.done $0x0  }
0xa4: {  	s25 =	simm.s32 $0x1B8E;
	s24 =	sld [smem:$0x3FFE];
	[sflag:s23] =	ssyncadd.s32 $0xFFFFFFFF  }
0xa5: {  	s26 =	simm.s32 $execute0_lowered;
	[smem:$0x3FD2] =	sst s25  }
0xa6: {  	s5 =	sshll.u32 s26, $0x1;
	_ =	strace $0x80000046;
	[dreg:$0x1] =	wrdreg $0xFFFFFFFF  }
0xa7: {  	s28 =	simm.s32 $_size_execute0_lowered;
	s3 =	sadd.s32 s3, s5;
	[dreg:$0x0] =	wrdreg $0x0  }
0xa8: {  	s5 =	sshll.u32 s28, $0x1;
	[dreg:$0x2] =	wrdreg s3  }
0xa9: {  	[dreg:$0x3] =	wrdreg s5  }
0xaa: {  	[dreg:$0x4] =	wrdreg $0xC0  }
0xab: {  	_ =	task [dreg:s7], $0x5FFFF  }
0xac: {  	[dreg:$0x1] =	wrdreg $0xFFFFFFFF  }
0xad: {  	[dreg:$0x0] =	wrdreg $0x60  }
0xae: {  	[dreg:$0x2] =	wrdreg s24  }
0xaf: {  	[dreg:$0x3] =	wrdreg s2  }
0xb0: {  	[dreg:$0x4] =	wrdreg $0x9  }
0xb1: {  	_ =	task.clear_ibuf [dreg:s7], $0x5FFFF;
	_ =	strace $0x90000046  }
0xb2: {  	s29 =	simm.s32 $0x9;
	_ =	strace $0x80000048  }
0xb3: {  	_ =	swait.ge [sflag:s29], $0x1  }
0xb4: {  	[sflag:s29] =	ssyncadd.s32 $0xFFFFFFFF  }
0xb5: {  	_ =	strace $0x90000048  }
0xb6: {  	_ =	sfence  }
0xb7: {  	s30 =	sld [smem:$0x0];
	_ =	sdelay $0x2  }
0xb8: {  	s31 =	sshll.u32 s1, $0xD;
	s1 =	sshrl.u32 s1, $0x2  }
0xb9: {  	s3 =	sand.u32 $0x4000, s31;
	s1 =	sadd.s32 s1, s30  }
0xba: {  	s0 =	sor.u32 s3, s0;
	s1 =	sshll.u32 s1, $0x11  }
0xbb: {  	s0 =	sor.u32 s1, s0  }
0xbc: {  	s0 =	sadd.s32 $0x8F2B, s0  }
0xbd: {  	[sflag:s0] =	ssyncadd.remote.s32 $0x1  }
0xbe: {  	_ =	sfence.sel $0xFFFF  }
0xbf: {  	[dreg:$0x0] =	wrdreg $0xFFFFFFFF;
	(pc) =	sbr.abs _section_cstart, $3  }
0xc0: {  	[dreg:$0x1] =	wrdreg $0xFFFFFFFF  }
0xc1: {  	_ =	task.clear_ibuf [dreg:s7], $0x2FFFF;
	_ =	strace $0x9FFFFFFF  }
0xc2: {  	(tm) =	ssettm $0x7FFFFFFF  }
0xc3: {  	_ =	shalt  }
tec
execute0_lowered:
.L_overlay_start_1:
0x0: {  	(tag) =	ssettag $0x1  }
0x1: {  	s0 =	srdreg.scid;
	s1 =	rddreg [dreg:$0x0]  }
0x2: {  	s9 =	stileid.u32;
	s2 =	rddreg [dreg:$0x1];
	s21 =	simm.s32 $0x4F00  }
0x3: {  	s13 =	simm.s32 $0xAF00;
	s28 =	simm.s32 $0x11700;
	s29 =	simm.s32 $0x11F00  }
0x4: {  	s30 =	simm.s32 $0x12700;
	s31 =	simm.s32 $0x12F00;
	s14 =	simm.s32 $0x14700  }
0x5: {  	s15 =	simm.s32 $0x14F00;
	s16 =	simm.s32 $0x1;
	s17 =	simm.s32 $0x2  }
0x6: {  	s18 =	simm.s32 $0x3;
	s19 =	simm.s32 $0x4;
	s7 =	smul.u32 $0x2A0000, s9  }
0x7: {  	s0 =	sand.u32 $0x1, s0;
	s3 =	sshll.u32 s9, $0x1;
	s9 =	smul.u32 $0x54000, s9  }
0x8: {  	s11 =	simm.s32 $0x0;
	s4 =	sor.u32 s0, s3;
	s23 =	smul.u32 $0x150000, s0  }
0x9: {  	s3 =	simm.s32 $0x0;
	s5 =	ssub.s32 $0x2, s0;
	s0 =	smul.u32 $0x2A000, s0  }
0xa: {  	s4 =	smul.u32 $0xE0, s4;
	[smem:$0x7FF] =	sst s3;
	s6 =	sshrl.u32 s5, $0x1  }
0xb: {  	_ =	strace $0x80000047;
	s8 =	ssub.s32 s5, s6;
	s5 =	sadd.s32 $0x100, s2  }
0xc: {  	s6 =	sadd.s32 $0x200, s2;
	s4 =	sadd.s32 s4, s1;
	s8 =	smax.u32 s8, $0x1  }
0xd: {  	s1 =	sadd.s32 $0x3800, s1;
	s4 =	sadd.s32 $0x1C00, s4;
	[dreg:$0x4] =	wrdreg s8  }
0xe: {  	s24 =	sadd.s32 s9, s1;
	[dreg:$0x3] =	wrdreg s4;
	s4 =	sadd.s32 s23, s7  }
.Ltmp0:
0xf: {  	s8 =	sadd.s32 s0, s24;
	s23 =	simm.s32 $0xF700;
	(pc) =	sbr.rel .LBB2_1-.Ltmp0, $4  }
0x10: {  	s24 =	simm.s32 $0xFF00;
	s0 =	simm.s32 $0x13F00;
	s25 =	sor.u32 $0x4800, s4  }
0x11: {  	v2 =	vlaneseq.u32;
	s7 =	simm.s32 $0x8;
	s4 =	sor.u32 $0xF000, s4;
	s26 =	sshrl.u32 s25, $0x3  }
0x12: {  	vm0 =	vmmov $0xffff;
	v1 =	vshrl.u32 v2, $0x3;
	s4 =	sshrl.u32 s4, $0x3;
	s25 =	simm.s32 $0x10700;
	s9 =	sadd.s32 s26, s1  }
0x13: {  	v0 =	vand.u32 $0x7, v2;
	v2 =	vor.u32 $0x8, v2;
	v1 =	vmul.u32 $0x8, v1;
	s10 =	sadd.s32 s4, s1;
	s26 =	simm.s32 $0x10F00;
	s1 =	simm.s32 $0x13700  }
.LBB2_4:
0x14: {  	s4 =	simm.s32 $0x5  }
0x15: {  	_ =	swait.ge [sflag:s4], $0x4800  }
0x16: {  	[sflag:s4] =	ssyncset.done $0x0  }
0x17: {  	s12 =	simm.s32 $0x6;
	[sflag:s4] =	ssyncadd.s32 $0xFFFFB800  }
0x18: {  	_ =	swait.ge [sflag:s12], $0x6000  }
0x19: {  	[sflag:s12] =	ssyncset.done $0x0  }
0x1a: {  	s20 =	simm.s32 $0x7;
	[sflag:s12] =	ssyncadd.s32 $0xFFFFA000  }
0x1b: {  	_ =	swait.ge [sflag:s20], $0x4800  }
0x1c: {  	[sflag:s20] =	ssyncset.done $0x0  }
0x1d: {  	[sflag:s20] =	ssyncadd.s32 $0xFFFFB800  }
0x1e: {  	_ =	swait.ge [sflag:s7], $0x6000  }
0x1f: {  	s11 =	rddreg [dreg:$0x5]  }
0x20: {  	s22 =	rddreg [dreg:$0x4];
	s11 =	sadd.s32 $0x1, s11  }
0x21: {  	p0 =	sne.s32 s11, s22  }
.Ltmp1:
0x22: {  	_ = 	snop;
	(pc) =	sbr.rel @!p0 .LBB2_5-.Ltmp1, $3  }
0x23: {  	_ =	sdelay $0x1  }
0x24: {  	[sflag:s7] =	ssyncset.done $0x0  }
0x25: {  	[sflag:s7] =	ssyncadd.s32 $0xFFFFA000  }
.LBB2_1:
0x26: {  	[dreg:$0x5] =	wrdreg s11  }
0x27: {  	s4 =	rddreg [dreg:$0x3];
	s22 =	simm.s32 $0x9  }
0x28: {  	[tilespmem:s3], [sflag:$0x9] =	stream.linear.gather [hbm4b:s4+s3], $0x700, $0x38;
	[tilespmem:$0x15700] =	vst v63  }
0x29: {  	_ =	swait.ge [sflag:s22], $0x700  }
0x2a: {  	[sflag:s22] =	ssyncset.done $0x0  }
0x2b: {  	[sflag:s22] =	ssyncadd.s32 $0xFFFFF900  }
0x2c: {  	v3 =	vld [tilespmem:$0x0];
	_ =	sdelay $0x4  }
0x2d: {  	v4 =	vshrl.u32 v3, $0x3  }
0x2e: {  	v4 =	vmul.u32 $0x30, v4  }
0x2f: {  	v3 =	vand.u32 $0x7, v3  }
0x30: {  	v3 =	vor.u32 v3, v4  }
0x31: {  	v4 =	vperm.xlane v3, v0;
	_ =	sdelay $0x1  }
0x32: {  	v4 =	vadd.s32 v1, v4;
	_ =	sdelay $0x3  }
0x33: {  	s11 =	simm.s32 $0x700;
	v3 =	vperm.xlane v3, v2  }
0x34: {  	[tilespmem:s11], [sflag:$0x1] =	stream.indirect_vreg.gather [hbm4b:s2+s3], $0x80, v4, vm0, $0xb8;
	[tilespmem:$0x15700] =	vst v63  }
0x35: {  	s12 =	simm.s32 $0xF00;
	v3 =	vadd.s32 v1, v3  }
0x36: {  	[tilespmem:s12], [sflag:$0x1] =	stream.indirect_vreg.gather [hbm4b:s5+s3], $0x80, v4, vm0, $0xb8;
	[tilespmem:$0x15700] =	vst v63  }
0x37: {  	s20 =	simm.s32 $0x1700  }
0x38: {  	[tilespmem:s20], [sflag:$0x1] =	stream.indirect_vreg.gather [hbm4b:s6+s3], $0x80, v4, vm0, $0xb8;
	[tilespmem:$0x15700] =	vst v63  }
0x39: {  	s22 =	simm.s32 $0x1F00  }
0x3a: {  	[tilespmem:s22], [sflag:$0x1] =	stream.indirect_vreg.gather [hbm4b:s2+s3], $0x80, v3, vm0, $0xb8;
	[tilespmem:$0x15700] =	vst v63  }
0x3b: {  	s11 =	simm.s32 $0x2700  }
0x3c: {  	[tilespmem:s11], [sflag:$0x1] =	stream.indirect_vreg.gather [hbm4b:s5+s3], $0x80, v3, vm0, $0xb8;
	[tilespmem:$0x15700] =	vst v63  }
0x3d: {  	s12 =	simm.s32 $0x2F00  }
0x3e: {  	[tilespmem:s12], [sflag:$0x1] =	stream.indirect_vreg.gather [hbm4b:s6+s3], $0x80, v3, vm0, $0xb8;
	[tilespmem:$0x15700] =	vst v63  }
0x3f: {  	v3 =	vld.msk [tilespmem:$0x10], $0xff;
	_ =	sdelay $0x4  }
0x40: {  	v57 =	vshrl.u32 v3, $0x3  }
0x41: {  	v4 =	vmul.u32 $0x30, v57  }
0x42: {  	v3 =	vand.u32 $0x7, v3  }
0x43: {  	v3 =	vor.u32 v3, v4  }
0x44: {  	v3 =	vperm.xlane v3, v0;
	_ =	sdelay $0x1  }
0x45: {  	v3 =	vadd.s32 v1, v3;
	_ =	sdelay $0x3  }
0x46: {  	s20 =	simm.s32 $0x3700  }
0x47: {  	[tilespmem:s20], [sflag:$0x1] =	stream.indirect_vreg.gather [hbm4b:s2+s3], $0x80, v3, vm0, $0xb8;
	[tilespmem:$0x15700] =	vst v63  }
0x48: {  	s22 =	simm.s32 $0x3F00  }
0x49: {  	[tilespmem:s22], [sflag:$0x1] =	stream.indirect_vreg.gather [hbm4b:s5+s3], $0x80, v3, vm0, $0xb8;
	[tilespmem:$0x15700] =	vst v63  }
0x4a: {  	s11 =	simm.s32 $0x4700  }
0x4b: {  	[tilespmem:s11], [sflag:$0x1] =	stream.indirect_vreg.gather [hbm4b:s6+s3], $0x80, v3, vm0, $0xb8;
	[tilespmem:$0x15700] =	vst v63  }
0x4c: {  	v3 =	vld [tilespmem:$0x18];
	_ =	sdelay $0x4  }
0x4d: {  	v58 =	vshrl.u32 v3, $0x3  }
0x4e: {  	v4 =	vmul.u32 $0x30, v58  }
0x4f: {  	v3 =	vand.u32 $0x7, v3  }
0x50: {  	v3 =	vor.u32 v3, v4  }
0x51: {  	v4 =	vperm.xlane v3, v0;
	_ =	sdelay $0x1  }
0x52: {  	v4 =	vadd.s32 v1, v4;
	_ =	sdelay $0x3  }
0x53: {  	v3 =	vperm.xlane v3, v2  }
0x54: {  	[tilespmem:s21], [sflag:$0x2] =	stream.indirect_vreg.gather [hbm4b:s2+s3], $0x80, v4, vm0, $0xb8;
	[tilespmem:$0x15700] =	vst v63  }
0x55: {  	s12 =	simm.s32 $0x5700;
	v3 =	vadd.s32 v1, v3  }
0x56: {  	[tilespmem:s12], [sflag:$0x2] =	stream.indirect_vreg.gather [hbm4b:s5+s3], $0x80, v4, vm0, $0xb8;
	[tilespmem:$0x15700] =	vst v63  }
0x57: {  	s20 =	simm.s32 $0x5F00  }
0x58: {  	[tilespmem:s20], [sflag:$0x2] =	stream.indirect_vreg.gather [hbm4b:s6+s3], $0x80, v4, vm0, $0xb8;
	[tilespmem:$0x15700] =	vst v63  }
0x59: {  	s22 =	simm.s32 $0x6700  }
0x5a: {  	[tilespmem:s22], [sflag:$0x2] =	stream.indirect_vreg.gather [hbm4b:s2+s3], $0x80, v3, vm0, $0xb8;
	[tilespmem:$0x15700] =	vst v63  }
0x5b: {  	s11 =	simm.s32 $0x6F00  }
0x5c: {  	[tilespmem:s11], [sflag:$0x2] =	stream.indirect_vreg.gather [hbm4b:s5+s3], $0x80, v3, vm0, $0xb8;
	[tilespmem:$0x15700] =	vst v63  }
0x5d: {  	s12 =	simm.s32 $0x7700  }
0x5e: {  	[tilespmem:s12], [sflag:$0x2] =	stream.indirect_vreg.gather [hbm4b:s6+s3], $0x80, v3, vm0, $0xb8;
	[tilespmem:$0x15700] =	vst v63  }
0x5f: {  	v3 =	vld [tilespmem:$0x28];
	_ =	sdelay $0x4  }
0x60: {  	v59 =	vshrl.u32 v3, $0x3  }
0x61: {  	v4 =	vmul.u32 $0x30, v59  }
0x62: {  	v3 =	vand.u32 $0x7, v3  }
0x63: {  	v3 =	vor.u32 v3, v4  }
0x64: {  	v4 =	vperm.xlane v3, v0;
	_ =	sdelay $0x1  }
0x65: {  	v4 =	vadd.s32 v1, v4;
	_ =	sdelay $0x3  }
0x66: {  	s20 =	simm.s32 $0x7F00;
	v3 =	vperm.xlane v3, v2  }
0x67: {  	[tilespmem:s20], [sflag:$0x2] =	stream.indirect_vreg.gather [hbm4b:s2+s3], $0x80, v4, vm0, $0xb8;
	[tilespmem:$0x15700] =	vst v63  }
0x68: {  	s22 =	simm.s32 $0x8700;
	v3 =	vadd.s32 v1, v3  }
0x69: {  	[tilespmem:s22], [sflag:$0x2] =	stream.indirect_vreg.gather [hbm4b:s5+s3], $0x80, v4, vm0, $0xb8;
	[tilespmem:$0x15700] =	vst v63  }
0x6a: {  	s11 =	simm.s32 $0x8F00  }
0x6b: {  	[tilespmem:s11], [sflag:$0x2] =	stream.indirect_vreg.gather [hbm4b:s6+s3], $0x80, v4, vm0, $0xb8;
	[tilespmem:$0x15700] =	vst v63  }
0x6c: {  	s12 =	simm.s32 $0x9700  }
0x6d: {  	[tilespmem:s12], [sflag:$0x2] =	stream.indirect_vreg.gather [hbm4b:s2+s3], $0x80, v3, vm0, $0xb8;
	[tilespmem:$0x15700] =	vst v63  }
0x6e: {  	s20 =	simm.s32 $0x9F00  }
0x6f: {  	[tilespmem:s20], [sflag:$0x2] =	stream.indirect_vreg.gather [hbm4b:s5+s3], $0x80, v3, vm0, $0xb8;
	[tilespmem:$0x15700] =	vst v63  }
0x70: {  	s22 =	simm.s32 $0xA700  }
0x71: {  	[tilespmem:s22], [sflag:$0x2] =	stream.indirect_vreg.gather [hbm4b:s6+s3], $0x80, v3, vm0, $0xb8;
	[tilespmem:$0x15700] =	vst v63  }
0x72: {  	v3 =	vld [tilespmem:$0x38];
	_ =	sdelay $0x4  }
0x73: {  	v60 =	vshrl.u32 v3, $0x3  }
0x74: {  	v4 =	vmul.u32 $0x30, v60  }
0x75: {  	v3 =	vand.u32 $0x7, v3  }
0x76: {  	v3 =	vor.u32 v3, v4  }
0x77: {  	v4 =	vperm.xlane v3, v0;
	_ =	sdelay $0x1  }
0x78: {  	v4 =	vadd.s32 v1, v4;
	_ =	sdelay $0x3  }
0x79: {  	v3 =	vperm.xlane v3, v2  }
0x7a: {  	[tilespmem:s13], [sflag:$0x3] =	stream.indirect_vreg.gather [hbm4b:s2+s3], $0x80, v4, vm0, $0xb8;
	[tilespmem:$0x15700] =	vst v63  }
0x7b: {  	s11 =	simm.s32 $0xB700;
	v3 =	vadd.s32 v1, v3  }
0x7c: {  	[tilespmem:s11], [sflag:$0x3] =	stream.indirect_vreg.gather [hbm4b:s5+s3], $0x80, v4, vm0, $0xb8;
	[tilespmem:$0x15700] =	vst v63  }
0x7d: {  	s12 =	simm.s32 $0xBF00  }
0x7e: {  	[tilespmem:s12], [sflag:$0x3] =	stream.indirect_vreg.gather [hbm4b:s6+s3], $0x80, v4, vm0, $0xb8;
	[tilespmem:$0x15700] =	vst v63  }
0x7f: {  	s20 =	simm.s32 $0xC700  }
0x80: {  	[tilespmem:s20], [sflag:$0x3] =	stream.indirect_vreg.gather [hbm4b:s2+s3], $0x80, v3, vm0, $0xb8;
	[tilespmem:$0x15700] =	vst v63  }
0x81: {  	s22 =	simm.s32 $0xCF00  }
0x82: {  	[tilespmem:s22], [sflag:$0x3] =	stream.indirect_vreg.gather [hbm4b:s5+s3], $0x80, v3, vm0, $0xb8;
	[tilespmem:$0x15700] =	vst v63  }
0x83: {  	s11 =	simm.s32 $0xD700  }
0x84: {  	[tilespmem:s11], [sflag:$0x3] =	stream.indirect_vreg.gather [hbm4b:s6+s3], $0x80, v3, vm0, $0xb8;
	[tilespmem:$0x15700] =	vst v63  }
0x85: {  	v3 =	vld.msk [tilespmem:$0x48], $0xff;
	_ =	sdelay $0x4  }
0x86: {  	v61 =	vshrl.u32 v3, $0x3  }
0x87: {  	v4 =	vmul.u32 $0x30, v61  }
0x88: {  	v3 =	vand.u32 $0x7, v3  }
0x89: {  	v3 =	vor.u32 v3, v4  }
0x8a: {  	v3 =	vperm.xlane v3, v0;
	_ =	sdelay $0x1  }
0x8b: {  	v3 =	vadd.s32 v1, v3;
	_ =	sdelay $0x3  }
0x8c: {  	s12 =	simm.s32 $0xDF00  }
0x8d: {  	[tilespmem:s12], [sflag:$0x3] =	stream.indirect_vreg.gather [hbm4b:s2+s3], $0x80, v3, vm0, $0xb8;
	[tilespmem:$0x15700] =	vst v63  }
0x8e: {  	s20 =	simm.s32 $0xE700  }
0x8f: {  	[tilespmem:s20], [sflag:$0x3] =	stream.indirect_vreg.gather [hbm4b:s5+s3], $0x80, v3, vm0, $0xb8;
	[tilespmem:$0x15700] =	vst v63  }
0x90: {  	s22 =	simm.s32 $0xEF00  }
0x91: {  	[tilespmem:s22], [sflag:$0x3] =	stream.indirect_vreg.gather [hbm4b:s6+s3], $0x80, v3, vm0, $0xb8;
	[tilespmem:$0x15700] =	vst v63  }
0x92: {  	v3 =	vld [tilespmem:$0x50];
	_ =	sdelay $0x4  }
0x93: {  	v62 =	vshrl.u32 v3, $0x3  }
0x94: {  	v4 =	vmul.u32 $0x30, v62  }
0x95: {  	v3 =	vand.u32 $0x7, v3  }
0x96: {  	v3 =	vor.u32 v3, v4  }
0x97: {  	v4 =	vperm.xlane v3, v0;
	_ =	sdelay $0x1  }
0x98: {  	v4 =	vadd.s32 v1, v4;
	_ =	sdelay $0x3  }
0x99: {  	v3 =	vperm.xlane v3, v2  }
0x9a: {  	[tilespmem:s23], [sflag:$0x4] =	stream.indirect_vreg.gather [hbm4b:s2+s3], $0x80, v4, vm0, $0xb8;
	[tilespmem:$0x15700] =	vst v63  }
0x9b: {  	v3 =	vadd.s32 v1, v3  }
0x9c: {  	[tilespmem:s24], [sflag:$0x4] =	stream.indirect_vreg.gather [hbm4b:s5+s3], $0x80, v4, vm0, $0xb8;
	[tilespmem:$0x15700] =	vst v63  }
0x9d: {  	_ = 	snop  }
0x9e: {  	[tilespmem:s25], [sflag:$0x4] =	stream.indirect_vreg.gather [hbm4b:s6+s3], $0x80, v4, vm0, $0xb8;
	[tilespmem:$0x15700] =	vst v63  }
0x9f: {  	_ = 	snop  }
0xa0: {  	[tilespmem:s26], [sflag:$0x4] =	stream.indirect_vreg.gather [hbm4b:s2+s3], $0x80, v3, vm0, $0xb8;
	[tilespmem:$0x15700] =	vst v63  }
0xa1: {  	_ = 	snop  }
0xa2: {  	[tilespmem:s28], [sflag:$0x4] =	stream.indirect_vreg.gather [hbm4b:s5+s3], $0x80, v3, vm0, $0xb8;
	[tilespmem:$0x15700] =	vst v63  }
0xa3: {  	_ = 	snop  }
0xa4: {  	[tilespmem:s29], [sflag:$0x4] =	stream.indirect_vreg.gather [hbm4b:s6+s3], $0x80, v3, vm0, $0xb8;
	[tilespmem:$0x15700] =	vst v63  }
0xa5: {  	v3 =	vld [tilespmem:$0x60];
	_ =	sdelay $0x4  }
0xa6: {  	v63 =	vshrl.u32 v3, $0x3  }
0xa7: {  	v4 =	vmul.u32 $0x30, v63  }
0xa8: {  	v3 =	vand.u32 $0x7, v3  }
0xa9: {  	v3 =	vor.u32 v3, v4  }
0xaa: {  	v4 =	vperm.xlane v3, v0;
	_ =	sdelay $0x1  }
0xab: {  	v4 =	vadd.s32 v1, v4;
	_ =	sdelay $0x3  }
0xac: {  	v3 =	vperm.xlane v3, v2  }
0xad: {  	[tilespmem:s30], [sflag:$0x4] =	stream.indirect_vreg.gather [hbm4b:s2+s3], $0x80, v4, vm0, $0xb8;
	[tilespmem:$0x15700] =	vst v63  }
0xae: {  	v3 =	vadd.s32 v1, v3  }
0xaf: {  	[tilespmem:s31], [sflag:$0x4] =	stream.indirect_vreg.gather [hbm4b:s5+s3], $0x80, v4, vm0, $0xb8;
	[tilespmem:$0x15700] =	vst v63  }
0xb0: {  	_ = 	snop  }
0xb1: {  	[tilespmem:s1], [sflag:$0x4] =	stream.indirect_vreg.gather [hbm4b:s6+s3], $0x80, v4, vm0, $0xb8;
	[tilespmem:$0x15700] =	vst v63  }
0xb2: {  	_ = 	snop  }
0xb3: {  	[tilespmem:s0], [sflag:$0x4] =	stream.indirect_vreg.gather [hbm4b:s2+s3], $0x80, v3, vm0, $0xb8;
	[tilespmem:$0x15700] =	vst v63  }
0xb4: {  	_ = 	snop  }
0xb5: {  	[tilespmem:s14], [sflag:$0x4] =	stream.indirect_vreg.gather [hbm4b:s5+s3], $0x80, v3, vm0, $0xb8;
	[tilespmem:$0x15700] =	vst v63  }
0xb6: {  	s20 =	simm.s32 $0xD0;
	s22 =	simm.s32 $0x0  }
0xb7: {  	[tilespmem:s15], [sflag:$0x4] =	stream.indirect_vreg.gather [hbm4b:s6+s3], $0x80, v3, vm0, $0xb8;
	[tilespmem:$0x15700] =	vst v63  }
.LBB2_2:
0xb8: {  	_ =	swait.ge [sflag:s16], $0x4800  }
0xb9: {  	s11 =	sadd.s32 s22, s8;
	[sflag:s16] =	ssyncset.done $0x0  }
0xba: {  	s4 =	simm.s32 $0x700;
	p0 =	seq.s32 s22, $0x27600;
	[sflag:s16] =	ssyncadd.s32 $0xFFFFB800  }
0xbb: {  	[hbm4b:s11+s3] =	stream.linear.scatter [tilespmem:s4], [sflag:$0x5], $0x4800, $0x38;
	[tilespmem:$0x15700] =	vst v63  }
0xbc: {  	s4 =	simm.s32 @!p0 $0x5  }
0xbd: {  	_ =	swait.ge @!p0 [sflag:s4], $0x4800  }
0xbe: {  	[sflag:s4] =	ssyncset.done @!p0 $0x0  }
0xbf: {  	[sflag:s4] =	ssyncadd.s32 @!p0 $0xFFFFB800  }
0xc0: {  	v3 =	vld @!p0 [tilespmem:s20+$0xFFFFFFA0];
	_ =	sdelay $0x4  }
0xc1: {  	v4 =	vshrl.u32 @!p0 v3, $0x3  }
0xc2: {  	v4 =	vmul.u32 @!p0 $0x30, v4  }
0xc3: {  	v5 =	vlaneseq.u32 @!p0;
	v3 =	vand.u32 @!p0 $0x7, v3  }
0xc4: {  	v6 =	vshrl.u32 @!p0 v5, $0x3;
	v3 =	vor.u32 @!p0 v3, v4;
	v4 =	vand.u32 @!p0 $0x7, v5  }
0xc5: {  	v6 =	vmul.u32 @!p0 $0x8, v6;
	v7 =	vperm.xlane @!p0 v3, v4;
	_ =	sdelay $0x1  }
0xc6: {  	v7 =	vadd.s32 @!p0 v6, v7;
	_ =	sdelay $0x2  }
0xc7: {  	v5 =	vor.u32 @!p0 $0x8, v5  }
0xc8: {  	vm1 =	vmmov @!p0 $0xffff;
	s12 =	simm.s32 @!p0 $0x700;
	s4 =	simm.s32 @!p0 $0x0;
	v3 =	vperm.xlane @!p0 v3, v5  }
0xc9: {  	[tilespmem:s12], [sflag:$0x1] =	stream.indirect_vreg.gather @!p0 [hbm4b:s2+s4], $0x80, v7, vm1, $0xb8;
	[tilespmem:$0x15700] =	vst v63  }
0xca: {  	v3 =	vadd.s32 @!p0 v6, v3;
	s12 =	simm.s32 @!p0 $0xF00  }
0xcb: {  	[tilespmem:s12], [sflag:$0x1] =	stream.indirect_vreg.gather @!p0 [hbm4b:s5+s4], $0x80, v7, vm1, $0xb8;
	[tilespmem:$0x15700] =	vst v63  }
0xcc: {  	s12 =	simm.s32 @!p0 $0x1700  }
0xcd: {  	[tilespmem:s12], [sflag:$0x1] =	stream.indirect_vreg.gather @!p0 [hbm4b:s6+s4], $0x80, v7, vm1, $0xb8;
	[tilespmem:$0x15700] =	vst v63  }
0xce: {  	s12 =	simm.s32 @!p0 $0x1F00  }
0xcf: {  	[tilespmem:s12], [sflag:$0x1] =	stream.indirect_vreg.gather @!p0 [hbm4b:s2+s4], $0x80, v3, vm1, $0xb8;
	[tilespmem:$0x15700] =	vst v63  }
0xd0: {  	s12 =	simm.s32 @!p0 $0x2700  }
0xd1: {  	[tilespmem:s12], [sflag:$0x1] =	stream.indirect_vreg.gather @!p0 [hbm4b:s5+s4], $0x80, v3, vm1, $0xb8;
	[tilespmem:$0x15700] =	vst v63  }
0xd2: {  	s12 =	simm.s32 @!p0 $0x2F00  }
0xd3: {  	[tilespmem:s12], [sflag:$0x1] =	stream.indirect_vreg.gather @!p0 [hbm4b:s6+s4], $0x80, v3, vm1, $0xb8;
	[tilespmem:$0x15700] =	vst v63  }
0xd4: {  	v3 =	vld.msk @!p0 [tilespmem:s20+$0xFFFFFFB0], $0xff;
	_ =	sdelay $0x4  }
0xd5: {  	v7 =	vshrl.u32 @!p0 v3, $0x3  }
0xd6: {  	v7 =	vmul.u32 @!p0 $0x30, v7  }
0xd7: {  	v3 =	vand.u32 @!p0 $0x7, v3  }
0xd8: {  	v3 =	vor.u32 @!p0 v3, v7  }
0xd9: {  	v3 =	vperm.xlane @!p0 v3, v4;
	_ =	sdelay $0x1  }
0xda: {  	v3 =	vadd.s32 @!p0 v6, v3;
	_ =	sdelay $0x3  }
0xdb: {  	s12 =	simm.s32 @!p0 $0x3700  }
0xdc: {  	[tilespmem:s12], [sflag:$0x1] =	stream.indirect_vreg.gather @!p0 [hbm4b:s2+s4], $0x80, v3, vm1, $0xb8;
	[tilespmem:$0x15700] =	vst v63  }
0xdd: {  	s12 =	simm.s32 @!p0 $0x3F00  }
0xde: {  	[tilespmem:s12], [sflag:$0x1] =	stream.indirect_vreg.gather @!p0 [hbm4b:s5+s4], $0x80, v3, vm1, $0xb8;
	[tilespmem:$0x15700] =	vst v63  }
0xdf: {  	s12 =	simm.s32 @!p0 $0x4700  }
0xe0: {  	[tilespmem:s12], [sflag:$0x1] =	stream.indirect_vreg.gather @!p0 [hbm4b:s6+s4], $0x80, v3, vm1, $0xb8;
	[tilespmem:$0x15700] =	vst v63  }
0xe1: {  	_ =	swait.ge [sflag:s17], $0x6000  }
0xe2: {  	[sflag:s17] =	ssyncset.done $0x0  }
0xe3: {  	s12 =	sadd.s32 s22, s9;
	[sflag:s17] =	ssyncadd.s32 $0xFFFFA000  }
0xe4: {  	[hbm4b:s12+s3] =	stream.linear.scatter [tilespmem:s21], [sflag:$0x6], $0x6000, $0x38;
	[tilespmem:$0x15700] =	vst v63  }
0xe5: {  	s12 =	simm.s32 @!p0 $0x6  }
0xe6: {  	_ =	swait.ge @!p0 [sflag:s12], $0x6000  }
0xe7: {  	[sflag:s12] =	ssyncset.done @!p0 $0x0  }
0xe8: {  	[sflag:s12] =	ssyncadd.s32 @!p0 $0xFFFFA000  }
0xe9: {  	v3 =	vld @!p0 [tilespmem:s20+$0xFFFFFFB8];
	_ =	sdelay $0x4  }
0xea: {  	v7 =	vshrl.u32 @!p0 v3, $0x3  }
0xeb: {  	v7 =	vmul.u32 @!p0 $0x30, v7  }
0xec: {  	v3 =	vand.u32 @!p0 $0x7, v3  }
0xed: {  	v3 =	vor.u32 @!p0 v3, v7  }
0xee: {  	v7 =	vperm.xlane @!p0 v3, v4;
	_ =	sdelay $0x1  }
0xef: {  	v7 =	vadd.s32 @!p0 v6, v7;
	_ =	sdelay $0x3  }
0xf0: {  	s12 =	simm.s32 @!p0 $0x4F00;
	v3 =	vperm.xlane @!p0 v3, v5  }
0xf1: {  	[tilespmem:s12], [sflag:$0x2] =	stream.indirect_vreg.gather @!p0 [hbm4b:s2+s4], $0x80, v7, vm1, $0xb8;
	[tilespmem:$0x15700] =	vst v63  }
0xf2: {  	v3 =	vadd.s32 @!p0 v6, v3;
	s12 =	simm.s32 @!p0 $0x5700  }
0xf3: {  	[tilespmem:s12], [sflag:$0x2] =	stream.indirect_vreg.gather @!p0 [hbm4b:s5+s4], $0x80, v7, vm1, $0xb8;
	[tilespmem:$0x15700] =	vst v63  }
0xf4: {  	s12 =	simm.s32 @!p0 $0x5F00  }
0xf5: {  	[tilespmem:s12], [sflag:$0x2] =	stream.indirect_vreg.gather @!p0 [hbm4b:s6+s4], $0x80, v7, vm1, $0xb8;
	[tilespmem:$0x15700] =	vst v63  }
0xf6: {  	s12 =	simm.s32 @!p0 $0x6700  }
0xf7: {  	[tilespmem:s12], [sflag:$0x2] =	stream.indirect_vreg.gather @!p0 [hbm4b:s2+s4], $0x80, v3, vm1, $0xb8;
	[tilespmem:$0x15700] =	vst v63  }
0xf8: {  	s12 =	simm.s32 @!p0 $0x6F00  }
0xf9: {  	[tilespmem:s12], [sflag:$0x2] =	stream.indirect_vreg.gather @!p0 [hbm4b:s5+s4], $0x80, v3, vm1, $0xb8;
	[tilespmem:$0x15700] =	vst v63  }
0xfa: {  	s12 =	simm.s32 @!p0 $0x7700  }
0xfb: {  	[tilespmem:s12], [sflag:$0x2] =	stream.indirect_vreg.gather @!p0 [hbm4b:s6+s4], $0x80, v3, vm1, $0xb8;
	[tilespmem:$0x15700] =	vst v63  }
0xfc: {  	v3 =	vld @!p0 [tilespmem:s20+$0xFFFFFFC8];
	_ =	sdelay $0x4  }
0xfd: {  	v7 =	vshrl.u32 @!p0 v3, $0x3  }
0xfe: {  	v7 =	vmul.u32 @!p0 $0x30, v7  }
0xff: {  	v3 =	vand.u32 @!p0 $0x7, v3  }
0x100: {  	v3 =	vor.u32 @!p0 v3, v7  }
0x101: {  	v7 =	vperm.xlane @!p0 v3, v4;
	_ =	sdelay $0x1  }
0x102: {  	v7 =	vadd.s32 @!p0 v6, v7;
	_ =	sdelay $0x3  }
0x103: {  	s12 =	simm.s32 @!p0 $0x7F00;
	v3 =	vperm.xlane @!p0 v3, v5  }
0x104: {  	[tilespmem:s12], [sflag:$0x2] =	stream.indirect_vreg.gather @!p0 [hbm4b:s2+s4], $0x80, v7, vm1, $0xb8;
	[tilespmem:$0x15700] =	vst v63  }
0x105: {  	v3 =	vadd.s32 @!p0 v6, v3;
	s12 =	simm.s32 @!p0 $0x8700  }
0x106: {  	[tilespmem:s12], [sflag:$0x2] =	stream.indirect_vreg.gather @!p0 [hbm4b:s5+s4], $0x80, v7, vm1, $0xb8;
	[tilespmem:$0x15700] =	vst v63  }
0x107: {  	s12 =	simm.s32 @!p0 $0x8F00  }
0x108: {  	[tilespmem:s12], [sflag:$0x2] =	stream.indirect_vreg.gather @!p0 [hbm4b:s6+s4], $0x80, v7, vm1, $0xb8;
	[tilespmem:$0x15700] =	vst v63  }
0x109: {  	s12 =	simm.s32 @!p0 $0x9700  }
0x10a: {  	[tilespmem:s12], [sflag:$0x2] =	stream.indirect_vreg.gather @!p0 [hbm4b:s2+s4], $0x80, v3, vm1, $0xb8;
	[tilespmem:$0x15700] =	vst v63  }
0x10b: {  	s12 =	simm.s32 @!p0 $0x9F00  }
0x10c: {  	[tilespmem:s12], [sflag:$0x2] =	stream.indirect_vreg.gather @!p0 [hbm4b:s5+s4], $0x80, v3, vm1, $0xb8;
	[tilespmem:$0x15700] =	vst v63  }
0x10d: {  	s12 =	simm.s32 @!p0 $0xA700  }
0x10e: {  	[tilespmem:s12], [sflag:$0x2] =	stream.indirect_vreg.gather @!p0 [hbm4b:s6+s4], $0x80, v3, vm1, $0xb8;
	[tilespmem:$0x15700] =	vst v63  }
0x10f: {  	_ =	swait.ge [sflag:s18], $0x4800  }
0x110: {  	[sflag:s18] =	ssyncset.done $0x0  }
0x111: {  	s11 =	sadd.s32 $0x1500, s11;
	[sflag:s18] =	ssyncadd.s32 $0xFFFFB800  }
0x112: {  	[hbm4b:s11+s3] =	stream.linear.scatter [tilespmem:s13], [sflag:$0x7], $0x4800, $0x38;
	[tilespmem:$0x15700] =	vst v63  }
0x113: {  	s11 =	simm.s32 @!p0 $0x7  }
0x114: {  	_ =	swait.ge @!p0 [sflag:s11], $0x4800  }
0x115: {  	[sflag:s11] =	ssyncset.done @!p0 $0x0  }
0x116: {  	[sflag:s11] =	ssyncadd.s32 @!p0 $0xFFFFB800  }
0x117: {  	v3 =	vld @!p0 [tilespmem:s20+$0xFFFFFFD8];
	_ =	sdelay $0x4  }
0x118: {  	v7 =	vshrl.u32 @!p0 v3, $0x3  }
0x119: {  	v7 =	vmul.u32 @!p0 $0x30, v7  }
0x11a: {  	v3 =	vand.u32 @!p0 $0x7, v3  }
0x11b: {  	v3 =	vor.u32 @!p0 v3, v7  }
0x11c: {  	v7 =	vperm.xlane @!p0 v3, v4;
	_ =	sdelay $0x1  }
0x11d: {  	v7 =	vadd.s32 @!p0 v6, v7;
	_ =	sdelay $0x3  }
0x11e: {  	s11 =	simm.s32 @!p0 $0xAF00;
	v3 =	vperm.xlane @!p0 v3, v5  }
0x11f: {  	[tilespmem:s11], [sflag:$0x3] =	stream.indirect_vreg.gather @!p0 [hbm4b:s2+s4], $0x80, v7, vm1, $0xb8;
	[tilespmem:$0x15700] =	vst v63  }
0x120: {  	v3 =	vadd.s32 @!p0 v6, v3;
	s11 =	simm.s32 @!p0 $0xB700  }
0x121: {  	[tilespmem:s11], [sflag:$0x3] =	stream.indirect_vreg.gather @!p0 [hbm4b:s5+s4], $0x80, v7, vm1, $0xb8;
	[tilespmem:$0x15700] =	vst v63  }
0x122: {  	s11 =	simm.s32 @!p0 $0xBF00  }
0x123: {  	[tilespmem:s11], [sflag:$0x3] =	stream.indirect_vreg.gather @!p0 [hbm4b:s6+s4], $0x80, v7, vm1, $0xb8;
	[tilespmem:$0x15700] =	vst v63  }
0x124: {  	s11 =	simm.s32 @!p0 $0xC700  }
0x125: {  	[tilespmem:s11], [sflag:$0x3] =	stream.indirect_vreg.gather @!p0 [hbm4b:s2+s4], $0x80, v3, vm1, $0xb8;
	[tilespmem:$0x15700] =	vst v63  }
0x126: {  	s11 =	simm.s32 @!p0 $0xCF00  }
0x127: {  	[tilespmem:s11], [sflag:$0x3] =	stream.indirect_vreg.gather @!p0 [hbm4b:s5+s4], $0x80, v3, vm1, $0xb8;
	[tilespmem:$0x15700] =	vst v63  }
0x128: {  	s11 =	simm.s32 @!p0 $0xD700  }
0x129: {  	[tilespmem:s11], [sflag:$0x3] =	stream.indirect_vreg.gather @!p0 [hbm4b:s6+s4], $0x80, v3, vm1, $0xb8;
	[tilespmem:$0x15700] =	vst v63  }
0x12a: {  	v3 =	vld.msk @!p0 [tilespmem:s20+$0xFFFFFFE8], $0xff;
	_ =	sdelay $0x4  }
0x12b: {  	v5 =	vshrl.u32 @!p0 v3, $0x3  }
0x12c: {  	v5 =	vmul.u32 @!p0 $0x30, v5  }
0x12d: {  	v3 =	vand.u32 @!p0 $0x7, v3  }
0x12e: {  	v3 =	vor.u32 @!p0 v3, v5  }
0x12f: {  	v3 =	vperm.xlane @!p0 v3, v4;
	_ =	sdelay $0x1  }
0x130: {  	v3 =	vadd.s32 @!p0 v6, v3;
	_ =	sdelay $0x3  }
0x131: {  	s11 =	simm.s32 @!p0 $0xDF00  }
0x132: {  	[tilespmem:s11], [sflag:$0x3] =	stream.indirect_vreg.gather @!p0 [hbm4b:s2+s4], $0x80, v3, vm1, $0xb8;
	[tilespmem:$0x15700] =	vst v63  }
0x133: {  	s11 =	simm.s32 @!p0 $0xE700  }
0x134: {  	[tilespmem:s11], [sflag:$0x3] =	stream.indirect_vreg.gather @!p0 [hbm4b:s5+s4], $0x80, v3, vm1, $0xb8;
	[tilespmem:$0x15700] =	vst v63  }
0x135: {  	s11 =	simm.s32 @!p0 $0xEF00  }
0x136: {  	[tilespmem:s11], [sflag:$0x3] =	stream.indirect_vreg.gather @!p0 [hbm4b:s6+s4], $0x80, v3, vm1, $0xb8;
	[tilespmem:$0x15700] =	vst v63  }
.Ltmp2:
0x137: {  	_ = 	snop;
	(pc) =	sbr.rel @p0 .LBB2_4-.Ltmp2, $4  }
0x138: {  	_ =	swait.ge [sflag:s19], $0x6000  }
0x139: {  	[sflag:s19] =	ssyncset.done $0x0  }
0x13a: {  	s12 =	sadd.s32 s22, s10;
	[sflag:s19] =	ssyncadd.s32 $0xFFFFA000  }
0x13b: {  	[hbm4b:s12+s3] =	stream.linear.scatter [tilespmem:s23], [sflag:$0x8], $0x6000, $0x38;
	[tilespmem:$0x15700] =	vst v63  }
0x13c: {  	_ =	swait.ge [sflag:s7], $0x6000  }
0x13d: {  	[sflag:s7] =	ssyncset.done $0x0  }
0x13e: {  	[sflag:s7] =	ssyncadd.s32 $0xFFFFA000  }
0x13f: {  	v3 =	vld [tilespmem:s20+$0xFFFFFFF0];
	_ =	sdelay $0x4  }
0x140: {  	v4 =	vshrl.u32 v3, $0x3  }
0x141: {  	v4 =	vmul.u32 $0x30, v4  }
0x142: {  	v3 =	vand.u32 $0x7, v3  }
0x143: {  	v3 =	vor.u32 v3, v4  }
0x144: {  	v4 =	vperm.xlane v3, v0;
	_ =	sdelay $0x1  }
0x145: {  	v4 =	vadd.s32 v1, v4;
	_ =	sdelay $0x3  }
0x146: {  	v3 =	vperm.xlane v3, v2  }
0x147: {  	[tilespmem:s23], [sflag:$0x4] =	stream.indirect_vreg.gather [hbm4b:s2+s3], $0x80, v4, vm0, $0xb8;
	[tilespmem:$0x15700] =	vst v63  }
0x148: {  	v3 =	vadd.s32 v1, v3  }
0x149: {  	[tilespmem:s24], [sflag:$0x4] =	stream.indirect_vreg.gather [hbm4b:s5+s3], $0x80, v4, vm0, $0xb8;
	[tilespmem:$0x15700] =	vst v63  }
0x14a: {  	_ = 	snop  }
0x14b: {  	[tilespmem:s25], [sflag:$0x4] =	stream.indirect_vreg.gather [hbm4b:s6+s3], $0x80, v4, vm0, $0xb8;
	[tilespmem:$0x15700] =	vst v63  }
0x14c: {  	_ = 	snop  }
0x14d: {  	[tilespmem:s26], [sflag:$0x4] =	stream.indirect_vreg.gather [hbm4b:s2+s3], $0x80, v3, vm0, $0xb8;
	[tilespmem:$0x15700] =	vst v63  }
0x14e: {  	_ = 	snop  }
0x14f: {  	[tilespmem:s28], [sflag:$0x4] =	stream.indirect_vreg.gather [hbm4b:s5+s3], $0x80, v3, vm0, $0xb8;
	[tilespmem:$0x15700] =	vst v63  }
0x150: {  	_ = 	snop  }
0x151: {  	[tilespmem:s29], [sflag:$0x4] =	stream.indirect_vreg.gather [hbm4b:s6+s3], $0x80, v3, vm0, $0xb8;
	[tilespmem:$0x15700] =	vst v63  }
0x152: {  	v3 =	vld [tilespmem:s20+$0x0];
	_ =	sdelay $0x4  }
0x153: {  	v63 =	vshrl.u32 v3, $0x3  }
0x154: {  	v4 =	vmul.u32 $0x30, v63  }
0x155: {  	v3 =	vand.u32 $0x7, v3  }
0x156: {  	v3 =	vor.u32 v3, v4  }
0x157: {  	v4 =	vperm.xlane v3, v0;
	_ =	sdelay $0x1  }
0x158: {  	v4 =	vadd.s32 v1, v4;
	_ =	sdelay $0x3  }
0x159: {  	v3 =	vperm.xlane v3, v2  }
0x15a: {  	[tilespmem:s30], [sflag:$0x4] =	stream.indirect_vreg.gather [hbm4b:s2+s3], $0x80, v4, vm0, $0xb8;
	[tilespmem:$0x15700] =	vst v63  }
0x15b: {  	v3 =	vadd.s32 v1, v3  }
0x15c: {  	[tilespmem:s31], [sflag:$0x4] =	stream.indirect_vreg.gather [hbm4b:s5+s3], $0x80, v4, vm0, $0xb8;
	[tilespmem:$0x15700] =	vst v63  }
0x15d: {  	_ = 	snop  }
0x15e: {  	[tilespmem:s1], [sflag:$0x4] =	stream.indirect_vreg.gather [hbm4b:s6+s3], $0x80, v4, vm0, $0xb8;
	[tilespmem:$0x15700] =	vst v63  }
0x15f: {  	_ = 	snop  }
0x160: {  	[tilespmem:s0], [sflag:$0x4] =	stream.indirect_vreg.gather [hbm4b:s2+s3], $0x80, v3, vm0, $0xb8;
	[tilespmem:$0x15700] =	vst v63  }
.Ltmp3:
0x161: {  	_ = 	snop;
	(pc) =	sbr.rel .LBB2_2-.Ltmp3, $4  }
0x162: {  	_ = 	snop  }
0x163: {  	[tilespmem:s14], [sflag:$0x4] =	stream.indirect_vreg.gather [hbm4b:s5+s3], $0x80, v3, vm0, $0xb8;
	[tilespmem:$0x15700] =	vst v63  }
0x164: {  	s22 =	sadd.s32 $0x2A00, s22;
	s20 =	sadd.s32 $0x70, s20  }
0x165: {  	[tilespmem:s15], [sflag:$0x4] =	stream.indirect_vreg.gather [hbm4b:s6+s3], $0x80, v3, vm0, $0xb8;
	[tilespmem:$0x15700] =	vst v63  }
.LBB2_5:
0x166: {  	_ =	sfence.sel $0x180000  }
0x167: {  	[bflag:$0x0] =	sbarrier.arrive $0xFFFF  }
0x168: {  	_ =	strace $0x90000047  }
0x169: {  	s0 =	stileid.u32;
	[bflag:$0x2] =	sbarrier.arrive $0xFFFF  }
0x16a: {  	p0 =	sne.s32 s0, $0x0;
	s0 =	rddreg [dreg:$0x2]  }
0x16b: {  	s0 =	sadd.s32 @!p0 $0x100000, s0  }
0x16c: {  	[sflag:s0] =	ssyncadd.tile.s32 @!p0 $0x1;
	_ =	shalt  }
.Lfunc_end2:
_tile_overlayer_lowered:
.L_overlay_start_2:
0x16d: {  	(tag) =	ssettag $0x2  }
0x16e: {  	s0 =	rddreg [dreg:$0x0];
	s2 =	stileid.u32  }
0x16f: {  	s1 =	rddreg [dreg:$0x1];
	p0 =	sne.s32 s2, $0x0  }
0x170: {  	s3 =	rddreg [dreg:$0x2];
	[bflag:$0x3] =	sbarrier.arrive $0xFFFF;
	s2 =	simm.s32 @!p0 $0x1C09  }
0x171: {  	[timem:s3], [sflag:s2] =	dma.local @!p0 [hbm:s0], s1  }
0x172: {  	s0 =	simm.s32 @!p0 $0x9  }
0x173: {  	_ =	swait.ge @!p0 [sflag:s0], s1  }
0x174: {  	s1 =	ssub.s32 @!p0 $0x0, s1;
	[sflag:s0] =	ssyncset.done @!p0 $0x0  }
0x175: {  	[sflag:s0] =	ssyncadd.s32 @!p0 s1  }
0x176: {  	[bflag:$0x3] =	sbarrier.arrive $0xFFFF  }
0x177: {  	_ =	shalt  }

</sc_bundles>
